<compile_context>
chip_gen: v7x
topology: tpu7x:2x2x1
jax: 0.10.2.dev20260603
libtpu: 0.0.44.dev20260713+nightly
codegen_flags: <defaults>
</compile_context>

<pallas_src>
import functools

import jax
import jax.numpy as jnp
from jax import lax
from jax.experimental import pallas as pl
from jax.experimental.pallas import tpu as pltpu
from jax.experimental.pallas import tpu_sc as plsc

_NUM_CLASSES = 10
_FEAT_DIM = 2
_ALPHA = 0.5
_BATCH = 16384
_L = 16
_NW = 16
_SPW = _BATCH // _NW
_CH = _SPW // _L
_TAB = _NUM_CLASSES * _L
_CLEN = _NUM_CLASSES * _FEAT_DIM


def _sc_body(fx_h, fy_h, lab_h, c_h,
             res_h, nc_h,
             fx_v, fy_v, lab_v, res_v, c_v, cx_v, cy_v,
             cnt_t, sx_t, sy_t, part_v, rb_v, nc_v,
             shared,
             sem):
    sid = lax.axis_index("s")
    base = sid * _SPW

    cp1 = pltpu.async_copy(fx_h.at[pl.ds(base, _SPW)], fx_v, sem)
    cp2 = pltpu.async_copy(fy_h.at[pl.ds(base, _SPW)], fy_v, sem)
    cp3 = pltpu.async_copy(lab_h.at[pl.ds(base, _SPW)], lab_v, sem)
    pltpu.sync_copy(c_h, c_v)

    lane = lax.iota(jnp.int32, _L)
    lane2 = lane * 2
    cmask = lane < _NUM_CLASSES
    col0 = jnp.zeros((_L,), jnp.int32)
    cx_v[...] = plsc.load_gather(c_v, [lane, col0], mask=cmask)
    cy_v[...] = plsc.load_gather(c_v, [lane, col0 + 1], mask=cmask)

    zero = jnp.zeros((_L,), jnp.float32)
    for c in range(_NUM_CLASSES):
        sl = pl.ds(c * _L, _L)
        cnt_t[sl] = zero
        sx_t[sl] = zero
        sy_t[sl] = zero

    ones = jnp.ones((_L,), jnp.float32)
    cp1.wait()
    cp2.wait()
    cp3.wait()

    @plsc.parallel_loop(0, _SPW, _L, unroll=4)
    def _chunk(off):
        sl = pl.ds(off, _L)
        lab = lab_v[sl]
        fxc = fx_v[sl]
        fyc = fy_v[sl]
        cxg = plsc.load_gather(cx_v, [lab])
        cyg = plsc.load_gather(cy_v, [lab])
        dx = fxc - cxg
        dy = fyc - cyg
        res_v[sl] = dx * dx + dy * dy
        slot = lab * _L + lane
        plsc.addupdate_scatter(cnt_t, [slot], ones)
        plsc.addupdate_scatter(sx_t, [slot], fxc)
        plsc.addupdate_scatter(sy_t, [slot], fyc)

    cpr = pltpu.async_copy(res_v, res_h.at[pl.ds(base, _SPW)], sem)

    def _trcls(c, acc):
        cntv, sxv, syv = acc
        m = lane == c
        sl = pl.ds(c * _L, _L)
        cntv = jnp.where(m, jnp.sum(cnt_t[sl]), cntv)
        sxv = jnp.where(m, jnp.sum(sx_t[sl]), sxv)
        syv = jnp.where(m, jnp.sum(sy_t[sl]), syv)
        return (cntv, sxv, syv)

    cntv, sxv, syv = lax.fori_loop(0, _NUM_CLASSES, _trcls, (zero, zero, zero))
    part_v[pl.ds(0, _L)] = cntv
    part_v[pl.ds(_L, _L)] = sxv
    part_v[pl.ds(2 * _L, _L)] = syv
    pltpu.sync_copy(part_v, shared.at[pl.ds(sid * 3 * _L, 3 * _L)])
    cpr.wait()

    plsc.subcore_barrier()

    @pl.when(sid == 0)
    def _finalize():
        pltpu.sync_copy(shared, rb_v)

        def _wred(w, acc):
            cnt, sx, sy = acc
            return (cnt + rb_v[pl.ds(w * 3 * _L, _L)],
                    sx + rb_v[pl.ds(w * 3 * _L + _L, _L)],
                    sy + rb_v[pl.ds(w * 3 * _L + 2 * _L, _L)])

        z = jnp.zeros((_L,), jnp.float32)
        cnt, sx, sy = lax.fori_loop(0, _NW, _wred, (z, z, z))
        cxr = cx_v[...]
        cyr = cy_v[...]
        scale = _ALPHA / (1.0 + cnt)
        plsc.store_scatter(nc_v, [lane2],
                           cxr - scale * (cnt * cxr - sx), mask=cmask)
        plsc.store_scatter(nc_v, [lane2 + 1],
                           cyr - scale * (cnt * cyr - sy), mask=cmask)
        pltpu.sync_copy(nc_v, nc_h)


_sc_call = functools.partial(
    pl.kernel,
    out_type=(
        jax.ShapeDtypeStruct((_BATCH,), jnp.float32),
        jax.ShapeDtypeStruct((_CLEN,), jnp.float32),
    ),
    mesh=plsc.VectorSubcoreMesh(
        core_axis_name="c", subcore_axis_name="s", num_cores=1
    ),
    compiler_params=pltpu.CompilerParams(needs_layout_passes=False),
    scratch_types=(
        pltpu.VMEM((_SPW,), jnp.float32),
        pltpu.VMEM((_SPW,), jnp.float32),
        pltpu.VMEM((_SPW,), jnp.int32),
        pltpu.VMEM((_SPW,), jnp.float32),
        pltpu.VMEM((_NUM_CLASSES, _FEAT_DIM), jnp.float32),
        pltpu.VMEM((_L,), jnp.float32),
        pltpu.VMEM((_L,), jnp.float32),
        pltpu.VMEM((_TAB,), jnp.float32),
        pltpu.VMEM((_TAB,), jnp.float32),
        pltpu.VMEM((_TAB,), jnp.float32),
        pltpu.VMEM((3 * _L,), jnp.float32),
        pltpu.VMEM((_NW * 3 * _L,), jnp.float32),
        pltpu.VMEM((_CLEN,), jnp.float32),
        pltpu.VMEM_SHARED((_NW * 3 * _L,), jnp.float32),
        pltpu.SemaphoreType.DMA,
    ),
)(_sc_body)


def kernel(features, labels, centers):
    res, nc = _sc_call(
        features[:, 0], features[:, 1], labels, centers
    )
    return (res.reshape(_BATCH, 1), nc.reshape(_NUM_CLASSES, _FEAT_DIM))

# --- scband reference (transcript-rebuilt; emitter-appended) ---
"""Pipeline reference for scband-center-loss-layer-11879879542042 (READ-ONLY COPY).

The authoritative reference and input builder live on the scoring server;
editing this copy changes nothing except your own understanding.
"""

import jax, jax.numpy as jnp
import numpy as np

NUM_CLASSES = 10
FEAT_DIM = 2
ALPHA = 0.5
BATCH = 16384


def setup_inputs(seed: int = 0) -> dict:
    key = jax.random.key(seed)
    k1, k2, k3 = jax.random.split(key, 3)
    features = jax.random.normal(k1, (BATCH, FEAT_DIM), dtype=jnp.float32)
    labels = jax.random.randint(k2, (BATCH,), 0, NUM_CLASSES, dtype=jnp.int32)
    # learned (non-trainable) parameter: class centers, 'uniform' initializer in keras
    centers = jax.random.uniform(k3, (NUM_CLASSES, FEAT_DIM), dtype=jnp.float32, minval=-0.05, maxval=0.05)
    return {"features": features, "labels": labels, "centers": centers}


def reference(features, labels, centers):
    labels = labels.reshape(-1)
    # centers_batch = K.gather(self.centers, labels)
    centers_batch = jnp.take(centers, labels, axis=0)
    # tf.unique_with_counts + gather(unique_count, unique_idx) == per-sample label frequency
    counts = jnp.bincount(labels, length=NUM_CLASSES)
    appear_times = jnp.take(counts, labels, axis=0).reshape(-1, 1)
    delta_centers = (centers_batch - features) / (1.0 + appear_times.astype(jnp.float32))
    delta_centers = ALPHA * delta_centers
    # tf.compat.v1.scatter_sub(self.centers, labels, delta_centers)
    new_centers = centers.at[labels].add(-delta_centers)
    # self.result = K.sum(K.square(features - centers_batch), axis=1, keepdims=True)
    result = jnp.sum(jnp.square(features - centers_batch), axis=1, keepdims=True)
    return (result, new_centers)

if __name__ == "__main__":
    import jax
    _d = setup_inputs()
    print(jax.jit(kernel)(*tuple(_d.values())))

</pallas_src>

<mosaic_0001>
#map = affine_map<(d0, d1) -> (0)>
#map1 = affine_map<(d0, d1) -> (0, 0)>
module attributes {stable_mosaic.version = 14 : i64} {
  func.func @_sc_body(%arg0: i32, %arg1: i32, %arg2: memref<16384xf32, #tpu.memory_space<hbm>>, %arg3: memref<16384xf32, #tpu.memory_space<hbm>>, %arg4: memref<16384xi32, #tpu.memory_space<hbm>>, %arg5: memref<10x2xf32, #tpu.memory_space<hbm>>, %arg6: memref<16384xf32, #tpu.memory_space<hbm>>, %arg7: memref<20xf32, #tpu.memory_space<hbm>>, %arg8: memref<1024xf32, #tpu.memory_space<vmem>>, %arg9: memref<1024xf32, #tpu.memory_space<vmem>>, %arg10: memref<1024xi32, #tpu.memory_space<vmem>>, %arg11: memref<1024xf32, #tpu.memory_space<vmem>>, %arg12: memref<10x2xf32, #tpu.memory_space<vmem>>, %arg13: memref<16xf32, #tpu.memory_space<vmem>>, %arg14: memref<16xf32, #tpu.memory_space<vmem>>, %arg15: memref<160xf32, #tpu.memory_space<vmem>>, %arg16: memref<160xf32, #tpu.memory_space<vmem>>, %arg17: memref<160xf32, #tpu.memory_space<vmem>>, %arg18: memref<48xf32, #tpu.memory_space<vmem>>, %arg19: memref<768xf32, #tpu.memory_space<vmem>>, %arg20: memref<20xf32, #tpu.memory_space<vmem>>, %arg21: memref<768xf32, #tpu.memory_space<vmem_shared>>, %arg22: memref<!tpu.dma_semaphore, #tpu.memory_space<semaphore_mem>>) attributes {dimension_semantics = [#tpu.dimension_semantics<core_parallel>, #tpu.dimension_semantics<subcore_parallel>], iteration_bounds = array<i64: 1, 16>, scalar_prefetch = 0 : i64, scratch_operands = 15 : i64, tpu.core_type = #tpu.core_type<sc_vector_subcore>, window_params = [{transform_indices = #map}, {transform_indices = #map}, {transform_indices = #map}, {transform_indices = #map1}, {transform_indices = #map}, {transform_indices = #map}]} {
    %mul3A = arith.constant 1024 : i32
    %mul3A_0 = arith.muli %arg1, %mul3A : i32
    %dma_start3A = tpu.memref_slice %arg2[%mul3A_0] : memref<16384xf32, #tpu.memory_space<hbm>> -> memref<1024xf32, #tpu.memory_space<hbm>>
    %dma_start3A_1 = tpu.memref_slice %arg2[%mul3A_0] : memref<16384xf32, #tpu.memory_space<hbm>> -> memref<1024xf32, #tpu.memory_space<hbm>>
    tpu.enqueue_dma source(%dma_start3A_1 : memref<1024xf32, #tpu.memory_space<hbm>>) target(%arg8 : memref<1024xf32, #tpu.memory_space<vmem>>) target_semaphore(%arg22 : memref<!tpu.dma_semaphore, #tpu.memory_space<semaphore_mem>>)
    %dma_start3A_2 = tpu.memref_slice %arg3[%mul3A_0] : memref<16384xf32, #tpu.memory_space<hbm>> -> memref<1024xf32, #tpu.memory_space<hbm>>
    %dma_start3A_3 = tpu.memref_slice %arg3[%mul3A_0] : memref<16384xf32, #tpu.memory_space<hbm>> -> memref<1024xf32, #tpu.memory_space<hbm>>
    tpu.enqueue_dma source(%dma_start3A_3 : memref<1024xf32, #tpu.memory_space<hbm>>) target(%arg9 : memref<1024xf32, #tpu.memory_space<vmem>>) target_semaphore(%arg22 : memref<!tpu.dma_semaphore, #tpu.memory_space<semaphore_mem>>)
    %dma_start3A_4 = tpu.memref_slice %arg4[%mul3A_0] : memref<16384xi32, #tpu.memory_space<hbm>> -> memref<1024xi32, #tpu.memory_space<hbm>>
    %dma_start3A_5 = tpu.memref_slice %arg4[%mul3A_0] : memref<16384xi32, #tpu.memory_space<hbm>> -> memref<1024xi32, #tpu.memory_space<hbm>>
    tpu.enqueue_dma source(%dma_start3A_5 : memref<1024xi32, #tpu.memory_space<hbm>>) target(%arg10 : memref<1024xi32, #tpu.memory_space<vmem>>) target_semaphore(%arg22 : memref<!tpu.dma_semaphore, #tpu.memory_space<semaphore_mem>>)
    "tpu.region"() ({
      %run_scoped3A = tpu.sem_alloc : memref<!tpu.dma_semaphore, #tpu.memory_space<semaphore_mem>>
      tpu.enqueue_dma source(%arg5 : memref<10x2xf32, #tpu.memory_space<hbm>>) target(%arg12 : memref<10x2xf32, #tpu.memory_space<vmem>>) target_semaphore(%run_scoped3A : memref<!tpu.dma_semaphore, #tpu.memory_space<semaphore_mem>>)
      tpu.wait_dma2 semaphore(%run_scoped3A : memref<!tpu.dma_semaphore, #tpu.memory_space<semaphore_mem>>) src(%arg5 : memref<10x2xf32, #tpu.memory_space<hbm>>) dst(%arg12 : memref<10x2xf32, #tpu.memory_space<vmem>>)
      tpu.yield
    }) : () -> ()
    %iota3A = tpu.iota {dimensions = array<i32: 0>} : vector<16xi32>
    %mul3A_6 = arith.constant 2 : i32
    %mul3A_7 = vector.broadcast %mul3A_6 : i32 to vector<16xi32>
    %mul3A_8 = arith.muli %iota3A, %mul3A_7 : vector<16xi32>
    %lt3A = arith.constant 10 : i32
    %lt3A_9 = vector.broadcast %lt3A : i32 to vector<16xi32>
    %lt3A_10 = arith.cmpi slt, %iota3A, %lt3A_9 : vector<16xi32>
    %broadcast_in_dim3A = arith.constant 0 : i32
    %broadcast_in_dim3A_11 = vector.broadcast %broadcast_in_dim3A : i32 to vector<16xi32>
    %gather3A = tpu.vector_load_idx %arg12[%iota3A, %broadcast_in_dim3A_11] masked %lt3A_10 : memref<10x2xf32, #tpu.memory_space<vmem>>[vector<16xi32>, vector<16xi32>], vector<16xf32>, vector<16xi1>
    %swap3A = arith.constant 0 : index
    %swap3A_12 = tpu.vector_load %arg13[%swap3A] {strides = array<i32>} : memref<16xf32, #tpu.memory_space<vmem>>, vector<16xf32>,
    tpu.vector_store %arg13[%swap3A], %gather3A {strides = array<i32>} : memref<16xf32, #tpu.memory_space<vmem>>, vector<16xf32>,
    %add3A = arith.constant 1 : i32
    %add3A_13 = vector.broadcast %add3A : i32 to vector<16xi32>
    %add3A_14 = arith.addi %broadcast_in_dim3A_11, %add3A_13 : vector<16xi32>
    %gather3A_15 = tpu.vector_load_idx %arg12[%iota3A, %add3A_14] masked %lt3A_10 : memref<10x2xf32, #tpu.memory_space<vmem>>[vector<16xi32>, vector<16xi32>], vector<16xf32>, vector<16xi1>
    %swap3A_16 = arith.constant 0 : index
    %swap3A_17 = tpu.vector_load %arg14[%swap3A_16] {strides = array<i32>} : memref<16xf32, #tpu.memory_space<vmem>>, vector<16xf32>,
    tpu.vector_store %arg14[%swap3A_16], %gather3A_15 {strides = array<i32>} : memref<16xf32, #tpu.memory_space<vmem>>, vector<16xf32>,
    %broadcast_in_dim3A_18 = arith.constant 0.000000e+00 : f32
    %broadcast_in_dim3A_19 = vector.broadcast %broadcast_in_dim3A_18 : f32 to vector<16xf32>
    %swap3A_20 = arith.constant 0 : index
    %swap3A_21 = tpu.vector_load %arg15[%swap3A_20] {strides = array<i32>} : memref<160xf32, #tpu.memory_space<vmem>>, vector<16xf32>,
    tpu.vector_store %arg15[%swap3A_20], %broadcast_in_dim3A_19 {strides = array<i32>} : memref<160xf32, #tpu.memory_space<vmem>>, vector<16xf32>,
    %swap3A_22 = arith.constant 0 : index
    %swap3A_23 = tpu.vector_load %arg16[%swap3A_22] {strides = array<i32>} : memref<160xf32, #tpu.memory_space<vmem>>, vector<16xf32>,
    tpu.vector_store %arg16[%swap3A_22], %broadcast_in_dim3A_19 {strides = array<i32>} : memref<160xf32, #tpu.memory_space<vmem>>, vector<16xf32>,
    %swap3A_24 = arith.constant 0 : index
    %swap3A_25 = tpu.vector_load %arg17[%swap3A_24] {strides = array<i32>} : memref<160xf32, #tpu.memory_space<vmem>>, vector<16xf32>,
    tpu.vector_store %arg17[%swap3A_24], %broadcast_in_dim3A_19 {strides = array<i32>} : memref<160xf32, #tpu.memory_space<vmem>>, vector<16xf32>,
    %swap3A_26 = arith.constant 16 : index
    %swap3A_27 = tpu.vector_load %arg15[%swap3A_26] {strides = array<i32>} : memref<160xf32, #tpu.memory_space<vmem>>, vector<16xf32>,
    tpu.vector_store %arg15[%swap3A_26], %broadcast_in_dim3A_19 {strides = array<i32>} : memref<160xf32, #tpu.memory_space<vmem>>, vector<16xf32>,
    %swap3A_28 = arith.constant 16 : index
    %swap3A_29 = tpu.vector_load %arg16[%swap3A_28] {strides = array<i32>} : memref<160xf32, #tpu.memory_space<vmem>>, vector<16xf32>,
    tpu.vector_store %arg16[%swap3A_28], %broadcast_in_dim3A_19 {strides = array<i32>} : memref<160xf32, #tpu.memory_space<vmem>>, vector<16xf32>,
    %swap3A_30 = arith.constant 16 : index
    %swap3A_31 = tpu.vector_load %arg17[%swap3A_30] {strides = array<i32>} : memref<160xf32, #tpu.memory_space<vmem>>, vector<16xf32>,
    tpu.vector_store %arg17[%swap3A_30], %broadcast_in_dim3A_19 {strides = array<i32>} : memref<160xf32, #tpu.memory_space<vmem>>, vector<16xf32>,
    %swap3A_32 = arith.constant 32 : index
    %swap3A_33 = tpu.vector_load %arg15[%swap3A_32] {strides = array<i32>} : memref<160xf32, #tpu.memory_space<vmem>>, vector<16xf32>,
    tpu.vector_store %arg15[%swap3A_32], %broadcast_in_dim3A_19 {strides = array<i32>} : memref<160xf32, #tpu.memory_space<vmem>>, vector<16xf32>,
    %swap3A_34 = arith.constant 32 : index
    %swap3A_35 = tpu.vector_load %arg16[%swap3A_34] {strides = array<i32>} : memref<160xf32, #tpu.memory_space<vmem>>, vector<16xf32>,
    tpu.vector_store %arg16[%swap3A_34], %broadcast_in_dim3A_19 {strides = array<i32>} : memref<160xf32, #tpu.memory_space<vmem>>, vector<16xf32>,
    %swap3A_36 = arith.constant 32 : index
    %swap3A_37 = tpu.vector_load %arg17[%swap3A_36] {strides = array<i32>} : memref<160xf32, #tpu.memory_space<vmem>>, vector<16xf32>,
    tpu.vector_store %arg17[%swap3A_36], %broadcast_in_dim3A_19 {strides = array<i32>} : memref<160xf32, #tpu.memory_space<vmem>>, vector<16xf32>,
    %swap3A_38 = arith.constant 48 : index
    %swap3A_39 = tpu.vector_load %arg15[%swap3A_38] {strides = array<i32>} : memref<160xf32, #tpu.memory_space<vmem>>, vector<16xf32>,
    tpu.vector_store %arg15[%swap3A_38], %broadcast_in_dim3A_19 {strides = array<i32>} : memref<160xf32, #tpu.memory_space<vmem>>, vector<16xf32>,
    %swap3A_40 = arith.constant 48 : index
    %swap3A_41 = tpu.vector_load %arg16[%swap3A_40] {strides = array<i32>} : memref<160xf32, #tpu.memory_space<vmem>>, vector<16xf32>,
    tpu.vector_store %arg16[%swap3A_40], %broadcast_in_dim3A_19 {strides = array<i32>} : memref<160xf32, #tpu.memory_space<vmem>>, vector<16xf32>,
    %swap3A_42 = arith.constant 48 : index
    %swap3A_43 = tpu.vector_load %arg17[%swap3A_42] {strides = array<i32>} : memref<160xf32, #tpu.memory_space<vmem>>, vector<16xf32>,
    tpu.vector_store %arg17[%swap3A_42], %broadcast_in_dim3A_19 {strides = array<i32>} : memref<160xf32, #tpu.memory_space<vmem>>, vector<16xf32>,
    %swap3A_44 = arith.constant 64 : index
    %swap3A_45 = tpu.vector_load %arg15[%swap3A_44] {strides = array<i32>} : memref<160xf32, #tpu.memory_space<vmem>>, vector<16xf32>,
    tpu.vector_store %arg15[%swap3A_44], %broadcast_in_dim3A_19 {strides = array<i32>} : memref<160xf32, #tpu.memory_space<vmem>>, vector<16xf32>,
    %swap3A_46 = arith.constant 64 : index
    %swap3A_47 = tpu.vector_load %arg16[%swap3A_46] {strides = array<i32>} : memref<160xf32, #tpu.memory_space<vmem>>, vector<16xf32>,
    tpu.vector_store %arg16[%swap3A_46], %broadcast_in_dim3A_19 {strides = array<i32>} : memref<160xf32, #tpu.memory_space<vmem>>, vector<16xf32>,
    %swap3A_48 = arith.constant 64 : index
    %swap3A_49 = tpu.vector_load %arg17[%swap3A_48] {strides = array<i32>} : memref<160xf32, #tpu.memory_space<vmem>>, vector<16xf32>,
    tpu.vector_store %arg17[%swap3A_48], %broadcast_in_dim3A_19 {strides = array<i32>} : memref<160xf32, #tpu.memory_space<vmem>>, vector<16xf32>,
    %swap3A_50 = arith.constant 80 : index
    %swap3A_51 = tpu.vector_load %arg15[%swap3A_50] {strides = array<i32>} : memref<160xf32, #tpu.memory_space<vmem>>, vector<16xf32>,
    tpu.vector_store %arg15[%swap3A_50], %broadcast_in_dim3A_19 {strides = array<i32>} : memref<160xf32, #tpu.memory_space<vmem>>, vector<16xf32>,
    %swap3A_52 = arith.constant 80 : index
    %swap3A_53 = tpu.vector_load %arg16[%swap3A_52] {strides = array<i32>} : memref<160xf32, #tpu.memory_space<vmem>>, vector<16xf32>,
    tpu.vector_store %arg16[%swap3A_52], %broadcast_in_dim3A_19 {strides = array<i32>} : memref<160xf32, #tpu.memory_space<vmem>>, vector<16xf32>,
    %swap3A_54 = arith.constant 80 : index
    %swap3A_55 = tpu.vector_load %arg17[%swap3A_54] {strides = array<i32>} : memref<160xf32, #tpu.memory_space<vmem>>, vector<16xf32>,
    tpu.vector_store %arg17[%swap3A_54], %broadcast_in_dim3A_19 {strides = array<i32>} : memref<160xf32, #tpu.memory_space<vmem>>, vector<16xf32>,
    %swap3A_56 = arith.constant 96 : index
    %swap3A_57 = tpu.vector_load %arg15[%swap3A_56] {strides = array<i32>} : memref<160xf32, #tpu.memory_space<vmem>>, vector<16xf32>,
    tpu.vector_store %arg15[%swap3A_56], %broadcast_in_dim3A_19 {strides = array<i32>} : memref<160xf32, #tpu.memory_space<vmem>>, vector<16xf32>,
    %swap3A_58 = arith.constant 96 : index
    %swap3A_59 = tpu.vector_load %arg16[%swap3A_58] {strides = array<i32>} : memref<160xf32, #tpu.memory_space<vmem>>, vector<16xf32>,
    tpu.vector_store %arg16[%swap3A_58], %broadcast_in_dim3A_19 {strides = array<i32>} : memref<160xf32, #tpu.memory_space<vmem>>, vector<16xf32>,
    %swap3A_60 = arith.constant 96 : index
    %swap3A_61 = tpu.vector_load %arg17[%swap3A_60] {strides = array<i32>} : memref<160xf32, #tpu.memory_space<vmem>>, vector<16xf32>,
    tpu.vector_store %arg17[%swap3A_60], %broadcast_in_dim3A_19 {strides = array<i32>} : memref<160xf32, #tpu.memory_space<vmem>>, vector<16xf32>,
    %swap3A_62 = arith.constant 112 : index
    %swap3A_63 = tpu.vector_load %arg15[%swap3A_62] {strides = array<i32>} : memref<160xf32, #tpu.memory_space<vmem>>, vector<16xf32>,
    tpu.vector_store %arg15[%swap3A_62], %broadcast_in_dim3A_19 {strides = array<i32>} : memref<160xf32, #tpu.memory_space<vmem>>, vector<16xf32>,
    %swap3A_64 = arith.constant 112 : index
    %swap3A_65 = tpu.vector_load %arg16[%swap3A_64] {strides = array<i32>} : memref<160xf32, #tpu.memory_space<vmem>>, vector<16xf32>,
    tpu.vector_store %arg16[%swap3A_64], %broadcast_in_dim3A_19 {strides = array<i32>} : memref<160xf32, #tpu.memory_space<vmem>>, vector<16xf32>,
    %swap3A_66 = arith.constant 112 : index
    %swap3A_67 = tpu.vector_load %arg17[%swap3A_66] {strides = array<i32>} : memref<160xf32, #tpu.memory_space<vmem>>, vector<16xf32>,
    tpu.vector_store %arg17[%swap3A_66], %broadcast_in_dim3A_19 {strides = array<i32>} : memref<160xf32, #tpu.memory_space<vmem>>, vector<16xf32>,
    %swap3A_68 = arith.constant 128 : index
    %swap3A_69 = tpu.vector_load %arg15[%swap3A_68] {strides = array<i32>} : memref<160xf32, #tpu.memory_space<vmem>>, vector<16xf32>,
    tpu.vector_store %arg15[%swap3A_68], %broadcast_in_dim3A_19 {strides = array<i32>} : memref<160xf32, #tpu.memory_space<vmem>>, vector<16xf32>,
    %swap3A_70 = arith.constant 128 : index
    %swap3A_71 = tpu.vector_load %arg16[%swap3A_70] {strides = array<i32>} : memref<160xf32, #tpu.memory_space<vmem>>, vector<16xf32>,
    tpu.vector_store %arg16[%swap3A_70], %broadcast_in_dim3A_19 {strides = array<i32>} : memref<160xf32, #tpu.memory_space<vmem>>, vector<16xf32>,
    %swap3A_72 = arith.constant 128 : index
    %swap3A_73 = tpu.vector_load %arg17[%swap3A_72] {strides = array<i32>} : memref<160xf32, #tpu.memory_space<vmem>>, vector<16xf32>,
    tpu.vector_store %arg17[%swap3A_72], %broadcast_in_dim3A_19 {strides = array<i32>} : memref<160xf32, #tpu.memory_space<vmem>>, vector<16xf32>,
    %swap3A_74 = arith.constant 144 : index
    %swap3A_75 = tpu.vector_load %arg15[%swap3A_74] {strides = array<i32>} : memref<160xf32, #tpu.memory_space<vmem>>, vector<16xf32>,
    tpu.vector_store %arg15[%swap3A_74], %broadcast_in_dim3A_19 {strides = array<i32>} : memref<160xf32, #tpu.memory_space<vmem>>, vector<16xf32>,
    %swap3A_76 = arith.constant 144 : index
    %swap3A_77 = tpu.vector_load %arg16[%swap3A_76] {strides = array<i32>} : memref<160xf32, #tpu.memory_space<vmem>>, vector<16xf32>,
    tpu.vector_store %arg16[%swap3A_76], %broadcast_in_dim3A_19 {strides = array<i32>} : memref<160xf32, #tpu.memory_space<vmem>>, vector<16xf32>,
    %swap3A_78 = arith.constant 144 : index
    %swap3A_79 = tpu.vector_load %arg17[%swap3A_78] {strides = array<i32>} : memref<160xf32, #tpu.memory_space<vmem>>, vector<16xf32>,
    tpu.vector_store %arg17[%swap3A_78], %broadcast_in_dim3A_19 {strides = array<i32>} : memref<160xf32, #tpu.memory_space<vmem>>, vector<16xf32>,
    %broadcast_in_dim3A_80 = arith.constant 1.000000e+00 : f32
    %broadcast_in_dim3A_81 = vector.broadcast %broadcast_in_dim3A_80 : f32 to vector<16xf32>
    %dma_wait3A = tpu.memref_slice %arg2[%mul3A_0] : memref<16384xf32, #tpu.memory_space<hbm>> -> memref<1024xf32, #tpu.memory_space<hbm>>
    %dma_wait3A_82 = tpu.memref_slice %arg2[%mul3A_0] : memref<16384xf32, #tpu.memory_space<hbm>> -> memref<1024xf32, #tpu.memory_space<hbm>>
    tpu.wait_dma2 semaphore(%arg22 : memref<!tpu.dma_semaphore, #tpu.memory_space<semaphore_mem>>) src(%dma_wait3A_82 : memref<1024xf32, #tpu.memory_space<hbm>>) dst(%arg8 : memref<1024xf32, #tpu.memory_space<vmem>>)
    %dma_wait3A_83 = tpu.memref_slice %arg3[%mul3A_0] : memref<16384xf32, #tpu.memory_space<hbm>> -> memref<1024xf32, #tpu.memory_space<hbm>>
    %dma_wait3A_84 = tpu.memref_slice %arg3[%mul3A_0] : memref<16384xf32, #tpu.memory_space<hbm>> -> memref<1024xf32, #tpu.memory_space<hbm>>
    tpu.wait_dma2 semaphore(%arg22 : memref<!tpu.dma_semaphore, #tpu.memory_space<semaphore_mem>>) src(%dma_wait3A_84 : memref<1024xf32, #tpu.memory_space<hbm>>) dst(%arg9 : memref<1024xf32, #tpu.memory_space<vmem>>)
    %dma_wait3A_85 = tpu.memref_slice %arg4[%mul3A_0] : memref<16384xi32, #tpu.memory_space<hbm>> -> memref<1024xi32, #tpu.memory_space<hbm>>
    %dma_wait3A_86 = tpu.memref_slice %arg4[%mul3A_0] : memref<16384xi32, #tpu.memory_space<hbm>> -> memref<1024xi32, #tpu.memory_space<hbm>>
    tpu.wait_dma2 semaphore(%arg22 : memref<!tpu.dma_semaphore, #tpu.memory_space<semaphore_mem>>) src(%dma_wait3A_86 : memref<1024xi32, #tpu.memory_space<hbm>>) dst(%arg10 : memref<1024xi32, #tpu.memory_space<vmem>>)
    %parallel_loop3A = arith.constant 0 : i32
    %parallel_loop3A_87 = arith.constant 1024 : i32
    %parallel_loop3A_88 = arith.constant 16 : i32
    scf.for %parallel_loop3A_110 = %parallel_loop3A to %parallel_loop3A_87 step %parallel_loop3A_88  : i32 {
      %parallel_loop3A_111 = arith.index_cast %parallel_loop3A_110 : i32 to index
      %parallel_loop3A_112 = tpu.vector_load %arg10[%parallel_loop3A_111] {strides = array<i32>} : memref<1024xi32, #tpu.memory_space<vmem>>, vector<16xi32>,
      %parallel_loop3A_113 = arith.index_cast %parallel_loop3A_110 : i32 to index
      %parallel_loop3A_114 = tpu.vector_load %arg8[%parallel_loop3A_113] {strides = array<i32>} : memref<1024xf32, #tpu.memory_space<vmem>>, vector<16xf32>,
      %parallel_loop3A_115 = arith.index_cast %parallel_loop3A_110 : i32 to index
      %parallel_loop3A_116 = tpu.vector_load %arg9[%parallel_loop3A_115] {strides = array<i32>} : memref<1024xf32, #tpu.memory_space<vmem>>, vector<16xf32>,
      %parallel_loop3A_117 = tpu.vector_load_idx %arg13[%parallel_loop3A_112] : memref<16xf32, #tpu.memory_space<vmem>>[vector<16xi32>], vector<16xf32>,
      %parallel_loop3A_118 = tpu.vector_load_idx %arg14[%parallel_loop3A_112] : memref<16xf32, #tpu.memory_space<vmem>>[vector<16xi32>], vector<16xf32>,
      %parallel_loop3A_119 = arith.subf %parallel_loop3A_114, %parallel_loop3A_117 : vector<16xf32>
      %parallel_loop3A_120 = arith.subf %parallel_loop3A_116, %parallel_loop3A_118 : vector<16xf32>
      %parallel_loop3A_121 = arith.mulf %parallel_loop3A_119, %parallel_loop3A_119 : vector<16xf32>
      %parallel_loop3A_122 = arith.mulf %parallel_loop3A_120, %parallel_loop3A_120 : vector<16xf32>
      %parallel_loop3A_123 = arith.addf %parallel_loop3A_121, %parallel_loop3A_122 : vector<16xf32>
      %parallel_loop3A_124 = arith.index_cast %parallel_loop3A_110 : i32 to index
      %parallel_loop3A_125 = tpu.vector_load %arg11[%parallel_loop3A_124] {strides = array<i32>} : memref<1024xf32, #tpu.memory_space<vmem>>, vector<16xf32>,
      tpu.vector_store %arg11[%parallel_loop3A_124], %parallel_loop3A_123 {strides = array<i32>} : memref<1024xf32, #tpu.memory_space<vmem>>, vector<16xf32>,
      %parallel_loop3A_126 = arith.constant 16 : i32
      %parallel_loop3A_127 = vector.broadcast %parallel_loop3A_126 : i32 to vector<16xi32>
      %parallel_loop3A_128 = arith.muli %parallel_loop3A_112, %parallel_loop3A_127 : vector<16xi32>
      %parallel_loop3A_129 = arith.addi %parallel_loop3A_128, %iota3A : vector<16xi32>
      tpu.vector_store_idx %arg15[%parallel_loop3A_129], %broadcast_in_dim3A_81 {add = true} : memref<160xf32, #tpu.memory_space<vmem>>[vector<16xi32>], vector<16xf32>,
      tpu.vector_store_idx %arg16[%parallel_loop3A_129], %parallel_loop3A_114 {add = true} : memref<160xf32, #tpu.memory_space<vmem>>[vector<16xi32>], vector<16xf32>,
      tpu.vector_store_idx %arg17[%parallel_loop3A_129], %parallel_loop3A_116 {add = true} : memref<160xf32, #tpu.memory_space<vmem>>[vector<16xi32>], vector<16xf32>,
    } {sc.loop_unroll_factor = 4 : i64, sc.parallel_access}
    %dma_start3A_89 = tpu.memref_slice %arg6[%mul3A_0] : memref<16384xf32, #tpu.memory_space<hbm>> -> memref<1024xf32, #tpu.memory_space<hbm>>
    %dma_start3A_90 = tpu.memref_slice %arg6[%mul3A_0] : memref<16384xf32, #tpu.memory_space<hbm>> -> memref<1024xf32, #tpu.memory_space<hbm>>
    tpu.enqueue_dma source(%arg11 : memref<1024xf32, #tpu.memory_space<vmem>>) target(%dma_start3A_90 : memref<1024xf32, #tpu.memory_space<hbm>>) target_semaphore(%arg22 : memref<!tpu.dma_semaphore, #tpu.memory_space<semaphore_mem>>)
    %scan3A = arith.constant 0 : i32
    %scan3A_91 = arith.constant 10 : i32
    %scan3A_92 = arith.addi %scan3A, %scan3A_91 : i32
    %scan3A_93 = arith.constant 1 : i32
    %scan3A_94:3 = scf.for %scan3A_110 = %scan3A to %scan3A_92 step %scan3A_93 iter_args(%scan3A_111 = %broadcast_in_dim3A_19, %scan3A_112 = %broadcast_in_dim3A_19, %scan3A_113 = %broadcast_in_dim3A_19) -> (vector<16xf32>, vector<16xf32>, vector<16xf32>)  : i32 {
      %eq3A_114 = vector.broadcast %scan3A_110 : i32 to vector<16xi32>
      %eq3A_115 = arith.cmpi eq, %iota3A, %eq3A_114 : vector<16xi32>
      %mul3A_116 = arith.constant 16 : i32
      %mul3A_117 = arith.muli %scan3A_110, %mul3A_116 : i32
      %get3A = arith.index_cast %mul3A_117 : i32 to index
      %get3A_118 = tpu.vector_load %arg15[%get3A] {strides = array<i32>} : memref<160xf32, #tpu.memory_space<vmem>>, vector<16xf32>,
      %reduce_sum3A = arith.constant true
      %reduce_sum3A_119 = vector.broadcast %reduce_sum3A : i1 to vector<16xi1>
      %reduce_sum3A_120 = tpu.scan <sum>, %get3A_118 masked %reduce_sum3A_119 : vector<16xf32>, vector<16xi1> -> vector<16xf32>
      %reduce_sum3A_121 = vector.extract %reduce_sum3A_120[15] : f32 from vector<16xf32>
      %broadcast_in_dim3A_122 = vector.broadcast %reduce_sum3A_121 : f32 to vector<16xf32>
      %select_n3A = arith.select %eq3A_115, %broadcast_in_dim3A_122, %scan3A_111 : vector<16xi1>, vector<16xf32>
      %get3A_123 = arith.index_cast %mul3A_117 : i32 to index
      %get3A_124 = tpu.vector_load %arg16[%get3A_123] {strides = array<i32>} : memref<160xf32, #tpu.memory_space<vmem>>, vector<16xf32>,
      %reduce_sum3A_125 = arith.constant true
      %reduce_sum3A_126 = vector.broadcast %reduce_sum3A_125 : i1 to vector<16xi1>
      %reduce_sum3A_127 = tpu.scan <sum>, %get3A_124 masked %reduce_sum3A_126 : vector<16xf32>, vector<16xi1> -> vector<16xf32>
      %reduce_sum3A_128 = vector.extract %reduce_sum3A_127[15] : f32 from vector<16xf32>
      %broadcast_in_dim3A_129 = vector.broadcast %reduce_sum3A_128 : f32 to vector<16xf32>
      %select_n3A_130 = arith.select %eq3A_115, %broadcast_in_dim3A_129, %scan3A_112 : vector<16xi1>, vector<16xf32>
      %get3A_131 = arith.index_cast %mul3A_117 : i32 to index
      %get3A_132 = tpu.vector_load %arg17[%get3A_131] {strides = array<i32>} : memref<160xf32, #tpu.memory_space<vmem>>, vector<16xf32>,
      %reduce_sum3A_133 = arith.constant true
      %reduce_sum3A_134 = vector.broadcast %reduce_sum3A_133 : i1 to vector<16xi1>
      %reduce_sum3A_135 = tpu.scan <sum>, %get3A_132 masked %reduce_sum3A_134 : vector<16xf32>, vector<16xi1> -> vector<16xf32>
      %reduce_sum3A_136 = vector.extract %reduce_sum3A_135[15] : f32 from vector<16xf32>
      %broadcast_in_dim3A_137 = vector.broadcast %reduce_sum3A_136 : f32 to vector<16xf32>
      %select_n3A_138 = arith.select %eq3A_115, %broadcast_in_dim3A_137, %scan3A_113 : vector<16xi1>, vector<16xf32>
      scf.yield %select_n3A, %select_n3A_130, %select_n3A_138 : vector<16xf32>, vector<16xf32>, vector<16xf32>
    }
    %scan3A_95 = arith.constant 10 : i32
    %swap3A_96 = arith.constant 0 : index
    %swap3A_97 = tpu.vector_load %arg18[%swap3A_96] {strides = array<i32>} : memref<48xf32, #tpu.memory_space<vmem>>, vector<16xf32>,
    tpu.vector_store %arg18[%swap3A_96], %scan3A_94#0 {strides = array<i32>} : memref<48xf32, #tpu.memory_space<vmem>>, vector<16xf32>,
    %swap3A_98 = arith.constant 16 : index
    %swap3A_99 = tpu.vector_load %arg18[%swap3A_98] {strides = array<i32>} : memref<48xf32, #tpu.memory_space<vmem>>, vector<16xf32>,
    tpu.vector_store %arg18[%swap3A_98], %scan3A_94#1 {strides = array<i32>} : memref<48xf32, #tpu.memory_space<vmem>>, vector<16xf32>,
    %swap3A_100 = arith.constant 32 : index
    %swap3A_101 = tpu.vector_load %arg18[%swap3A_100] {strides = array<i32>} : memref<48xf32, #tpu.memory_space<vmem>>, vector<16xf32>,
    tpu.vector_store %arg18[%swap3A_100], %scan3A_94#2 {strides = array<i32>} : memref<48xf32, #tpu.memory_space<vmem>>, vector<16xf32>,
    %mul3A_102 = arith.constant 3 : i32
    %mul3A_103 = arith.muli %arg1, %mul3A_102 : i32
    %mul3A_104 = arith.constant 16 : i32
    %mul3A_105 = arith.muli %mul3A_103, %mul3A_104 : i32
    "tpu.region"() ({
      %run_scoped3A = tpu.sem_alloc : memref<!tpu.dma_semaphore, #tpu.memory_space<semaphore_mem>>
      %dma_start3A_110 = tpu.memref_slice %arg21[%mul3A_105] : memref<768xf32, #tpu.memory_space<vmem_shared>> -> memref<48xf32, #tpu.memory_space<vmem_shared>>
      %dma_start3A_111 = tpu.memref_slice %arg21[%mul3A_105] : memref<768xf32, #tpu.memory_space<vmem_shared>> -> memref<48xf32, #tpu.memory_space<vmem_shared>>
      tpu.enqueue_dma source(%arg18 : memref<48xf32, #tpu.memory_space<vmem>>) target(%dma_start3A_111 : memref<48xf32, #tpu.memory_space<vmem_shared>>) target_semaphore(%run_scoped3A : memref<!tpu.dma_semaphore, #tpu.memory_space<semaphore_mem>>)
      %dma_wait3A_112 = tpu.memref_slice %arg21[%mul3A_105] : memref<768xf32, #tpu.memory_space<vmem_shared>> -> memref<48xf32, #tpu.memory_space<vmem_shared>>
      %dma_wait3A_113 = tpu.memref_slice %arg21[%mul3A_105] : memref<768xf32, #tpu.memory_space<vmem_shared>> -> memref<48xf32, #tpu.memory_space<vmem_shared>>
      tpu.wait_dma2 semaphore(%run_scoped3A : memref<!tpu.dma_semaphore, #tpu.memory_space<semaphore_mem>>) src(%arg18 : memref<48xf32, #tpu.memory_space<vmem>>) dst(%dma_wait3A_113 : memref<48xf32, #tpu.memory_space<vmem_shared>>)
      tpu.yield
    }) : () -> ()
    %dma_wait3A_106 = tpu.memref_slice %arg6[%mul3A_0] : memref<16384xf32, #tpu.memory_space<hbm>> -> memref<1024xf32, #tpu.memory_space<hbm>>
    %dma_wait3A_107 = tpu.memref_slice %arg6[%mul3A_0] : memref<16384xf32, #tpu.memory_space<hbm>> -> memref<1024xf32, #tpu.memory_space<hbm>>
    tpu.wait_dma2 semaphore(%arg22 : memref<!tpu.dma_semaphore, #tpu.memory_space<semaphore_mem>>) src(%arg11 : memref<1024xf32, #tpu.memory_space<vmem>>) dst(%dma_wait3A_107 : memref<1024xf32, #tpu.memory_space<hbm>>)
    %barrier3A = arith.constant 0 : index
    tpu.barrier barrier_id(%barrier3A)
    %eq3A = arith.constant 0 : i32
    %eq3A_108 = arith.cmpi eq, %arg1, %eq3A : i32
    %convert_element_type3A = arith.extui %eq3A_108 : i1 to i32
    %cond3A = arith.constant 0 : i32
    %cond3A_109 = arith.cmpi ne, %convert_element_type3A, %cond3A : i32
    scf.if %cond3A_109 {
      "tpu.region"() ({
        %run_scoped3A = tpu.sem_alloc : memref<!tpu.dma_semaphore, #tpu.memory_space<semaphore_mem>>
        tpu.enqueue_dma source(%arg21 : memref<768xf32, #tpu.memory_space<vmem_shared>>) target(%arg19 : memref<768xf32, #tpu.memory_space<vmem>>) target_semaphore(%run_scoped3A : memref<!tpu.dma_semaphore, #tpu.memory_space<semaphore_mem>>)
        tpu.wait_dma2 semaphore(%run_scoped3A : memref<!tpu.dma_semaphore, #tpu.memory_space<semaphore_mem>>) src(%arg21 : memref<768xf32, #tpu.memory_space<vmem_shared>>) dst(%arg19 : memref<768xf32, #tpu.memory_space<vmem>>)
        tpu.yield
      }) : () -> ()
      %broadcast_in_dim3A_110 = arith.constant 0.000000e+00 : f32
      %broadcast_in_dim3A_111 = vector.broadcast %broadcast_in_dim3A_110 : f32 to vector<16xf32>
      %scan3A_112 = arith.constant 0 : i32
      %scan3A_113 = arith.constant 16 : i32
      %scan3A_114 = arith.addi %scan3A_112, %scan3A_113 : i32
      %scan3A_115 = arith.constant 1 : i32
      %scan3A_116:3 = scf.for %scan3A_136 = %scan3A_112 to %scan3A_114 step %scan3A_115 iter_args(%scan3A_137 = %broadcast_in_dim3A_111, %scan3A_138 = %broadcast_in_dim3A_111, %scan3A_139 = %broadcast_in_dim3A_111) -> (vector<16xf32>, vector<16xf32>, vector<16xf32>)  : i32 {
        %mul3A_140 = arith.constant 3 : i32
        %mul3A_141 = arith.muli %scan3A_136, %mul3A_140 : i32
        %mul3A_142 = arith.constant 16 : i32
        %mul3A_143 = arith.muli %mul3A_141, %mul3A_142 : i32
        %get3A_144 = arith.index_cast %mul3A_143 : i32 to index
        %get3A_145 = tpu.vector_load %arg19[%get3A_144] {strides = array<i32>} : memref<768xf32, #tpu.memory_space<vmem>>, vector<16xf32>,
        %add3A_146 = arith.addf %scan3A_137, %get3A_145 : vector<16xf32>
        %mul3A_147 = arith.constant 3 : i32
        %mul3A_148 = arith.muli %scan3A_136, %mul3A_147 : i32
        %mul3A_149 = arith.constant 16 : i32
        %mul3A_150 = arith.muli %mul3A_148, %mul3A_149 : i32
        %add3A_151 = arith.constant 16 : i32
        %add3A_152 = arith.addi %mul3A_150, %add3A_151 : i32
        %get3A_153 = arith.index_cast %add3A_152 : i32 to index
        %get3A_154 = tpu.vector_load %arg19[%get3A_153] {strides = array<i32>} : memref<768xf32, #tpu.memory_space<vmem>>, vector<16xf32>,
        %add3A_155 = arith.addf %scan3A_138, %get3A_154 : vector<16xf32>
        %mul3A_156 = arith.constant 3 : i32
        %mul3A_157 = arith.muli %scan3A_136, %mul3A_156 : i32
        %mul3A_158 = arith.constant 16 : i32
        %mul3A_159 = arith.muli %mul3A_157, %mul3A_158 : i32
        %add3A_160 = arith.constant 32 : i32
        %add3A_161 = arith.addi %mul3A_159, %add3A_160 : i32
        %get3A_162 = arith.index_cast %add3A_161 : i32 to index
        %get3A_163 = tpu.vector_load %arg19[%get3A_162] {strides = array<i32>} : memref<768xf32, #tpu.memory_space<vmem>>, vector<16xf32>,
        %add3A_164 = arith.addf %scan3A_139, %get3A_163 : vector<16xf32>
        scf.yield %add3A_146, %add3A_155, %add3A_164 : vector<16xf32>, vector<16xf32>, vector<16xf32>
      }
      %scan3A_117 = arith.constant 16 : i32
      %get3A = arith.constant 0 : index
      %get3A_118 = tpu.vector_load %arg13[%get3A] {strides = array<i32>} : memref<16xf32, #tpu.memory_space<vmem>>, vector<16xf32>,
      %get3A_119 = arith.constant 0 : index
      %get3A_120 = tpu.vector_load %arg14[%get3A_119] {strides = array<i32>} : memref<16xf32, #tpu.memory_space<vmem>>, vector<16xf32>,
      %add3A_121 = arith.constant 1.000000e+00 : f32
      %add3A_122 = vector.broadcast %add3A_121 : f32 to vector<16xf32>
      %add3A_123 = arith.addf %add3A_122, %scan3A_116#0 : vector<16xf32>
      %div3A = arith.constant 5.000000e-01 : f32
      %div3A_124 = vector.broadcast %div3A : f32 to vector<16xf32>
      %div3A_125 = arith.divf %div3A_124, %add3A_123 : vector<16xf32>
      %mul3A_126 = arith.mulf %scan3A_116#0, %get3A_118 : vector<16xf32>
      %sub3A = arith.subf %mul3A_126, %scan3A_116#1 : vector<16xf32>
      %mul3A_127 = arith.mulf %div3A_125, %sub3A : vector<16xf32>
      %sub3A_128 = arith.subf %get3A_118, %mul3A_127 : vector<16xf32>
      tpu.vector_store_idx %arg20[%mul3A_8], %sub3A_128 masked %lt3A_10 : memref<20xf32, #tpu.memory_space<vmem>>[vector<16xi32>], vector<16xf32>, vector<16xi1>
      %add3A_129 = arith.constant 1 : i32
      %add3A_130 = vector.broadcast %add3A_129 : i32 to vector<16xi32>
      %add3A_131 = arith.addi %mul3A_8, %add3A_130 : vector<16xi32>
      %mul3A_132 = arith.mulf %scan3A_116#0, %get3A_120 : vector<16xf32>
      %sub3A_133 = arith.subf %mul3A_132, %scan3A_116#2 : vector<16xf32>
      %mul3A_134 = arith.mulf %div3A_125, %sub3A_133 : vector<16xf32>
      %sub3A_135 = arith.subf %get3A_120, %mul3A_134 : vector<16xf32>
      tpu.vector_store_idx %arg20[%add3A_131], %sub3A_135 masked %lt3A_10 : memref<20xf32, #tpu.memory_space<vmem>>[vector<16xi32>], vector<16xf32>, vector<16xi1>
      "tpu.region"() ({
        %run_scoped3A = tpu.sem_alloc : memref<!tpu.dma_semaphore, #tpu.memory_space<semaphore_mem>>
        tpu.enqueue_dma source(%arg20 : memref<20xf32, #tpu.memory_space<vmem>>) target(%arg7 : memref<20xf32, #tpu.memory_space<hbm>>) target_semaphore(%run_scoped3A : memref<!tpu.dma_semaphore, #tpu.memory_space<semaphore_mem>>)
        tpu.wait_dma2 semaphore(%run_scoped3A : memref<!tpu.dma_semaphore, #tpu.memory_space<semaphore_mem>>) src(%arg20 : memref<20xf32, #tpu.memory_space<vmem>>) dst(%arg7 : memref<20xf32, #tpu.memory_space<hbm>>)
        tpu.yield
      }) : () -> ()
    } else {
    }
    return
  }
}

</mosaic_0001>

<sc_bundles>
// kernel: kernel.3.cloned.1.call-start
scs
__scs_entry_jumppad:
0x0: {  	(pc) =	sbr.rel $0x88, $3  }
0x1: {  	(tag) =	ssettag $0x0;
	lr =	simm.s32 $0x1  }
0x2: {  	[smem:$0x3F9E] =	sst lr;
	_ =	strace $0xD0000000  }
0x3: {  	_ = 	snop  }
0x4: {  	_ = 	snop  }
0x5: {  	_ = 	snop  }
0x6: {  	_ = 	snop  }
0x7: {  	_ = 	snop  }
__scs_overlays_trampoline_lowered:
0x8: {  	[smem:$0x3FAD] =	sst s0  }
0x9: {  	[smem:$0x3FAE] =	sst s1  }
0xa: {  	[smem:$0x3FAF] =	sst s2  }
0xb: {  	[smem:$0x3FB0] =	sst s3  }
0xc: {  	[smem:$0x3FB1] =	sst s4  }
0xd: {  	[smem:$0x3FB2] =	sst s5  }
0xe: {  	[smem:$0x3FB3] =	sst s6  }
0xf: {  	[smem:$0x3FB4] =	sst s7  }
0x10: {  	[smem:$0x3FB5] =	sst s8  }
0x11: {  	[smem:$0x3FB6] =	sst s9;
	s0 =	simm.s32 @!p0 $0x0  }
0x12: {  	s1 =	sld [smem:$0x3F9C];
	s0 =	simm.s32 @p0 $0x1  }
0x13: {  	[smem:$0x3FB7] =	sst s0;
	s0 =	simm.s32 @!p1 $0x0  }
0x14: {  	s2 =	sld [smem:$0x3F9B];
	s0 =	simm.s32 @p1 $0x1  }
0x15: {  	[smem:$0x3FB8] =	sst s0;
	s0 =	simm.s32 @!p2 $0x0  }
0x16: {  	s3 =	sld [smem:$0x3FDB];
	s0 =	simm.s32 @p2 $0x1  }
0x17: {  	s4 =	simm.s32 $0x1BF5;
	[smem:$0x3FBA] =	sst s0  }
0x18: {  	s0 =	sld [smem:$0x3F9D];
	_ =	swait.ge [sflag:s4], $0x0  }
0x19: {  	s7 =	sld [smem:$0x3F9E]  }
0x1a: {  	s8 =	sadd.s32 $0xFFFFE003, lr  }
0x1b: {  	s9 =	sadd.s32 $0xFFFFFEF7, lr;
	s5 =	simm.s32 $0xFFFFFFFF;
	p2 =	slt.u32 s8, $0xFFFFF086  }
0x1c: {  	p1 =	slt.u32 s9, $0xF7A;
	s5 =	simm.s32 @!p2 $0x0  }
0x1d: {  	s5 =	simm.s32 @p1 $0x1;
	p0 =	seq.s32 s7, s2  }
0x1e: {  	s7 =	smul.u32 @!p0 $0xF7A, s2;
	p2 =	seq.s32 @!p0 s5, $0x0  }
0x1f: {  	s9 =	smul.u32 $0xF7A, s1;
	s8 =	simm.s32 @!p0 $0x1BF5;
	p2 =	por !p2, p0  }
0x20: {  	[sflag:s8] =	ssyncset.s32 @!p0 $0xFFFFF086;
	s6 =	sadd.s32 @!p0 s3, s7;
	s7 =	simm.s32 @!p0 $0x108  }
0x21: {  	s3 =	sadd.s32 s3, s9;
	s6 =	sadd.s32 @!p0 $0x88, s6;
	s7 =	simm.s32 @p2 $0x1082  }
0x22: {  	[simem:s7], [sflag:s8] =	dma.local @!p0 [hbm:s6], $0xF7A  }
0x23: {  	s9 =	sor.u32 $0xD0000000, s2;
	s6 =	simm.s32 $0x108;
	_ =	swait.ge @!p0 [sflag:s8], $0x0  }
0x24: {  	s3 =	sadd.s32 $0x88, s3;
	s6 =	simm.s32 @!p1 $0x1082;
	[sflag:s4] =	ssyncset.s32 $0xFFFFF086  }
0x25: {  	[simem:s6], [sflag:s4] =	dma.local [hbm:s3], $0xF7A  }
0x26: {  	[smem:$0x3F9E] =	sst s1;
	(tag) =	ssettag s2;
	_ =	strace s9  }
0x27: {  	s1 =	sld [smem:$0x3FAE]  }
0x28: {  	s2 =	sld [smem:$0x3FAF]  }
0x29: {  	s4 =	sld [smem:$0x3FB1]  }
0x2a: {  	p0 =	seq.s32 s5, $0x0;
	s5 =	sld [smem:$0x3FB2]  }
0x2b: {  	s6 =	sld [smem:$0x3FB3]  }
0x2c: {  	s7 =	sld [smem:$0x3FB4]  }
0x2d: {  	s3 =	simm.s32 $0x108;
	s8 =	sld [smem:$0x3FB5]  }
0x2e: {  	s3 =	simm.s32 @!p0 $0x1082;
	s9 =	sld [smem:$0x3FB6]  }
0x2f: {  	lr =	sadd.s32 s0, s3;
	s0 =	sld [smem:$0x3FAD]  }
0x30: {  	s3 =	sld [smem:$0x3FB0]  }
0x31: {  	[smem:$0x3FB9] =	sst s10  }
0x32: {  	s10 =	sld [smem:$0x3FB7];
	_ =	sdelay $0x3  }
0x33: {  	p0 =	seq.s32 s10, $0x1;
	s10 =	sld [smem:$0x3FB9];
	_ =	sdelay $0x3  }
0x34: {  	[smem:$0x3FB9] =	sst s10  }
0x35: {  	s10 =	sld [smem:$0x3FB8];
	_ =	sdelay $0x3  }
0x36: {  	p1 =	seq.s32 s10, $0x1;
	s10 =	sld [smem:$0x3FB9];
	_ =	sdelay $0x3  }
0x37: {  	[smem:$0x3FB9] =	sst s10  }
0x38: {  	s10 =	sld [smem:$0x3FBA]  }
0x39: {  	_ = 	snop;
	(pc) =	sbr.ind lr, $3  }
0x3a: {  	_ = 	snop  }
0x3b: {  	_ = 	snop  }
0x3c: {  	p2 =	seq.s32 s10, $0x1;
	s10 =	sld [smem:$0x3FB9]  }
0x3d: {  	_ =	shalt  }
0x3e: {  	_ =	shalt  }
0x3f: {  	_ =	shalt  }
0x40: {  	_ =	shalt  }
0x41: {  	_ =	shalt  }
0x42: {  	_ =	shalt  }
0x43: {  	_ =	shalt  }
0x44: {  	_ =	shalt  }
0x45: {  	_ =	shalt  }
0x46: {  	_ =	shalt  }
0x47: {  	_ =	shalt  }
0x48: {  	_ =	shalt  }
0x49: {  	_ =	shalt  }
0x4a: {  	_ =	shalt  }
0x4b: {  	_ =	shalt  }
0x4c: {  	_ =	shalt  }
0x4d: {  	_ =	shalt  }
0x4e: {  	_ =	shalt  }
0x4f: {  	_ =	shalt  }
0x50: {  	_ =	shalt  }
0x51: {  	_ =	shalt  }
0x52: {  	_ =	shalt  }
0x53: {  	_ =	shalt  }
0x54: {  	_ =	shalt  }
0x55: {  	_ =	shalt  }
0x56: {  	_ =	shalt  }
0x57: {  	_ =	shalt  }
0x58: {  	_ =	shalt  }
0x59: {  	_ =	shalt  }
0x5a: {  	_ =	shalt  }
0x5b: {  	_ =	shalt  }
0x5c: {  	_ =	shalt  }
0x5d: {  	_ =	shalt  }
0x5e: {  	_ =	shalt  }
0x5f: {  	_ =	shalt  }
0x60: {  	_ =	shalt  }
0x61: {  	_ =	shalt  }
0x62: {  	_ =	shalt  }
0x63: {  	_ =	shalt  }
0x64: {  	_ =	shalt  }
0x65: {  	_ =	shalt  }
0x66: {  	_ =	shalt  }
0x67: {  	_ =	shalt  }
0x68: {  	_ =	shalt  }
0x69: {  	_ =	shalt  }
0x6a: {  	_ =	shalt  }
0x6b: {  	_ =	shalt  }
0x6c: {  	_ =	shalt  }
0x6d: {  	_ =	shalt  }
0x6e: {  	_ =	shalt  }
0x6f: {  	_ =	shalt  }
0x70: {  	_ =	shalt  }
0x71: {  	_ =	shalt  }
0x72: {  	_ =	shalt  }
0x73: {  	_ =	shalt  }
0x74: {  	_ =	shalt  }
0x75: {  	_ =	shalt  }
0x76: {  	_ =	shalt  }
0x77: {  	_ =	shalt  }
0x78: {  	_ =	shalt  }
0x79: {  	_ =	shalt  }
0x7a: {  	_ =	shalt  }
0x7b: {  	_ =	shalt  }
0x7c: {  	_ =	shalt  }
0x7d: {  	_ =	shalt  }
0x7e: {  	_ =	shalt  }
0x7f: {  	_ =	shalt  }
0x80: {  	_ =	shalt  }
0x81: {  	_ =	shalt  }
0x82: {  	_ =	shalt  }
0x83: {  	_ =	shalt  }
0x84: {  	_ =	shalt  }
0x85: {  	_ =	shalt  }
0x86: {  	_ =	shalt  }
0x87: {  	_ =	shalt  }
.Lfunc_end0:
.L_simem_size_0:
called_computation_lowered:
.L_overlay_start_0:
0x88: {  	s0 =	sld [smem:$0x3FD9]  }
0x89: {  	s1 =	sld [smem:$0x3FFE];
	_ =	sdelay $0x3  }
0x8a: {  	s0 =	sadd.s32 s1, s0  }
0x8b: {  	[smem:$0x3FC5] =	sst s0  }
0x8c: {  	_ = 	snop  }
0x8d: {  	s0 =	sld [smem:$0x3FD0];
	_ =	sdelay $0x2  }
0x8e: {  	s2 =	simm.s32 $0xA;
	s3 =	simm.s32 $0x10;
	s13 =	sld [smem:$0x3FC8]  }
0x8f: {  	[smem:s3], [sflag:s2] =	dma.local [hbm:s0], $0x1  }
0x90: {  	_ =	swait.eq [sflag:s2], $0x1  }
0x91: {  	[sflag:s2] =	ssyncset.done $0x0  }
0x92: {  	s14 =	sld [smem:$0x10];
	[sflag:s2] =	ssyncadd.s32 $0xFFFFFFFF  }
0x93: {  	s15 =	sld [smem:$0x11];
	(tm) =	ssettm $0x1  }
0x94: {  	s16 =	sld [smem:$0x3FFB];
	_ =	sdelay $0x3  }
0x95: {  	_ =	strace s16  }
0x96: {  	s3 =	sld [smem:$0x3FFC];
	_ =	sdelay $0x3  }
0x97: {  	_ =	strace s3  }
0x98: {  	s3 =	sld [smem:$0x3FFD];
	_ =	sdelay $0x3  }
0x99: {  	_ =	strace s3  }
0x9a: {  	_ =	strace $0x8FFFFFFF  }
0x9b: {  	s17 =	sld [smem:$0x3FDB];
	_ =	sdelay $0x1  }
0x9c: {  	s4 =	simm.s32 $_scs_section_size  }
0x9d: {  	s5 =	simm.s32 $_size__tile_overlayer_lowered;
	s6 =	simm.s32 $_tile_overlayer_lowered  }
0x9e: {  	s20 =	simm.s32 $0x1BFF;
	s19 =	sshll.u32 s6, $0x1;
	s3 =	sadd.s32 s4, s17  }
0x9f: {  	s7 =	simm.s32 $0x0;
	s18 =	sshll.u32 s5, $0x1;
	s5 =	sadd.s32 s19, s3  }
0xa0: {  	[timem:s7], [sflag:s20] =	dma.local [hbm:s5], s18  }
0xa1: {  	_ =	swait.ge [sflag:s20], s18  }
0xa2: {  	s4 =	ssub.s32 $0x0, s18;
	[sflag:s20] =	ssyncset.done $0x0  }
0xa3: {  	[sflag:s20] =	ssyncadd.s32 s4;
	_ =	sdelay $0x1  }
0xa4: {  	s21 =	simm.s32 $0x1B8B  }
0xa5: {  	_ =	swait.ge [sflag:s21], $0x1  }
0xa6: {  	[sflag:s21] =	ssyncset.done $0x0  }
0xa7: {  	s23 =	simm.s32 $0x1B8E;
	s22 =	sld [smem:$0x3FFE];
	[sflag:s21] =	ssyncadd.s32 $0xFFFFFFFF  }
0xa8: {  	s24 =	simm.s32 $execute0_lowered;
	[smem:$0x3FD2] =	sst s23  }
0xa9: {  	s5 =	sshll.u32 s24, $0x1;
	_ =	strace $0x80000046;
	[dreg:$0x1] =	wrdreg $0xFFFFFFFF  }
0xaa: {  	s25 =	simm.s32 $_size_execute0_lowered;
	s3 =	sadd.s32 s3, s5;
	[dreg:$0x0] =	wrdreg $0x0  }
0xab: {  	s5 =	sshll.u32 s25, $0x1;
	[dreg:$0x2] =	wrdreg s3  }
0xac: {  	[dreg:$0x3] =	wrdreg s5  }
0xad: {  	[dreg:$0x4] =	wrdreg $0xC0  }
0xae: {  	_ =	task [dreg:s7], $0x5FFFF  }
0xaf: {  	[dreg:$0x1] =	wrdreg $0xFFFFFFFF  }
0xb0: {  	[dreg:$0x0] =	wrdreg $0x60  }
0xb1: {  	[dreg:$0x2] =	wrdreg s22  }
0xb2: {  	[dreg:$0x3] =	wrdreg s13  }
0xb3: {  	[dreg:$0x4] =	wrdreg s14  }
0xb4: {  	[dreg:$0x5] =	wrdreg s15  }
0xb5: {  	[dreg:$0x6] =	wrdreg $0x20000  }
0xb6: {  	[dreg:$0x7] =	wrdreg $0x9  }
0xb7: {  	_ =	task.clear_ibuf [dreg:s7], $0x8FFFF;
	_ =	strace $0x90000046  }
0xb8: {  	s26 =	simm.s32 $0x9;
	_ =	strace $0x80000048  }
0xb9: {  	_ =	swait.ge [sflag:s26], $0x1  }
0xba: {  	[sflag:s26] =	ssyncadd.s32 $0xFFFFFFFF  }
0xbb: {  	_ =	strace $0x90000048  }
0xbc: {  	_ =	sfence  }
0xbd: {  	s28 =	sld [smem:$0x0];
	_ =	sdelay $0x1  }
0xbe: {  	s29 =	srdreg.scid  }
0xbf: {  	s30 =	sshll.u32 s29, $0xD;
	s31 =	sshrl.u32 s29, $0x2  }
0xc0: {  	s1 =	sand.u32 $0x1, s29;
	s2 =	sand.u32 $0x4000, s30;
	s0 =	sadd.s32 s31, s28  }
0xc1: {  	s1 =	sor.u32 s2, s1;
	s0 =	sshll.u32 s0, $0x11  }
0xc2: {  	s0 =	sor.u32 s0, s1  }
0xc3: {  	s0 =	sadd.s32 $0x8F2B, s0  }
0xc4: {  	[sflag:s0] =	ssyncadd.remote.s32 $0x1  }
0xc5: {  	_ =	sfence.sel $0xFFFF  }
0xc6: {  	[dreg:$0x0] =	wrdreg $0xFFFFFFFF;
	(pc) =	sbr.abs _section_cstart, $3  }
0xc7: {  	[dreg:$0x1] =	wrdreg $0xFFFFFFFF  }
0xc8: {  	_ =	task.clear_ibuf [dreg:s7], $0x2FFFF;
	_ =	strace $0x9FFFFFFF  }
0xc9: {  	(tm) =	ssettm $0x7FFFFFFF  }
tec
execute0_lowered:
.L_overlay_start_1:
0x0: {  	(tag) =	ssettag $0x1  }
0x1: {  	s6 =	rddreg [dreg:$0x0]  }
0x2: {  	s7 =	rddreg [dreg:$0x1]  }
0x3: {  	s4 =	rddreg [dreg:$0x2]  }
0x4: {  	s1 =	rddreg [dreg:$0x3];
	s3 =	stileid.u32  }
0x5: {  	s2 =	rddreg [dreg:$0x4];
	s8 =	simm.s32 $0x0;
	s5 =	sshll.u32 s3, $0x7  }
0x6: {  	[smem:$0x7FF] =	sst s8;
	s9 =	sadd.s32 s5, s6  }
0x7: {  	s0 =	rddreg [dreg:$0x5];
	_ =	strace $0x80000047;
	s10 =	sadd.s32 $0x1800, s9  }
0x8: {  	[tilespmem:s8], [sflag:$0x1] =	stream.linear.gather [hbm4b:s10+s8], $0x400, $0x38;
	[tilespmem:$0x2030] =	vst v63  }
0x9: {  	s25 =	simm.s32 $0x400;
	s9 =	sadd.s32 $0x1000, s9  }
0xa: {  	[tilespmem:s25], [sflag:$0x1] =	stream.linear.gather [hbm4b:s9+s8], $0x400, $0x38;
	[tilespmem:$0x2030] =	vst v63  }
0xb: {  	s26 =	simm.s32 $0x800;
	v0 =	vlaneseq.u32;
	s7 =	sadd.s32 s7, s5  }
0xc: {  	v1 =	vmul.u32 $0x80, v0;
	[tilespmem:s26], [sflag:$0x1] =	stream.linear.gather [hbm4b:s7+s8], $0x400, $0x38;
	[tilespmem:$0x2030] =	vst v63  }
0xd: {  	s28 =	simm.s32 $0x1000;
	s29 =	simm.s32 $0x2;
	s6 =	sadd.s32 $0xE00, s6  }
0xe: {  	[tilespmem:s28], [sflag:$0x2] =	stream.linear.gather [hbm4b:s6+s8], $0x500, $0x38;
	[tilespmem:$0x2030] =	vst v63  }
0xf: {  	_ =	swait.ge [sflag:s29], $0x500  }
0x10: {  	[sflag:s29] =	ssyncset.done $0x0  }
0x11: {  	[sflag:s29] =	ssyncadd.s32 $0xFFFFFB00  }
0x12: {  	v2 =	vld.idx.msk [tilespmem:v1+s28+$0x0], $0x3ff  }
0x13: {  	v1 =	vor.u32 $0x1, v1;
	_ =	sdelay $0x3  }
0x14: {  	[tilespmem:$0x1800] =	vst v2  }
0x15: {  	v1 =	vld.idx.msk [tilespmem:v1+s28+$0x0], $0x3ff;
	_ =	sdelay $0x4  }
0x16: {  	[tilespmem:$0x1880] =	vst v1;
	v1 =	vimm.f32 $0.0e+00  }
0x17: {  	[tilespmem:$0x1900] =	vst v1  }
0x18: {  	[tilespmem:$0x1A00] =	vst v1  }
0x19: {  	[tilespmem:$0x1B00] =	vst v1  }
0x1a: {  	[tilespmem:$0x1910] =	vst v1  }
0x1b: {  	[tilespmem:$0x1A10] =	vst v1  }
0x1c: {  	[tilespmem:$0x1B10] =	vst v1  }
0x1d: {  	[tilespmem:$0x1920] =	vst v1  }
0x1e: {  	[tilespmem:$0x1A20] =	vst v1  }
0x1f: {  	[tilespmem:$0x1B20] =	vst v1  }
0x20: {  	[tilespmem:$0x1930] =	vst v1  }
0x21: {  	[tilespmem:$0x1A30] =	vst v1  }
0x22: {  	[tilespmem:$0x1B30] =	vst v1  }
0x23: {  	[tilespmem:$0x1940] =	vst v1  }
0x24: {  	[tilespmem:$0x1A40] =	vst v1  }
0x25: {  	[tilespmem:$0x1B40] =	vst v1  }
0x26: {  	[tilespmem:$0x1950] =	vst v1  }
0x27: {  	[tilespmem:$0x1A50] =	vst v1  }
0x28: {  	[tilespmem:$0x1B50] =	vst v1  }
0x29: {  	[tilespmem:$0x1960] =	vst v1  }
0x2a: {  	[tilespmem:$0x1A60] =	vst v1  }
0x2b: {  	[tilespmem:$0x1B60] =	vst v1  }
0x2c: {  	[tilespmem:$0x1970] =	vst v1  }
0x2d: {  	[tilespmem:$0x1A70] =	vst v1  }
0x2e: {  	[tilespmem:$0x1B70] =	vst v1  }
0x2f: {  	[tilespmem:$0x1980] =	vst v1  }
0x30: {  	[tilespmem:$0x1A80] =	vst v1  }
0x31: {  	[tilespmem:$0x1B80] =	vst v1  }
0x32: {  	[tilespmem:$0x1990] =	vst v1  }
0x33: {  	[tilespmem:$0x1A90] =	vst v1  }
0x34: {  	s30 =	simm.s32 $0x1;
	[tilespmem:$0x1B90] =	vst v1  }
0x35: {  	_ =	swait.ge [sflag:s30], $0x400  }
0x36: {  	[sflag:s30] =	ssyncset.done $0x0  }
0x37: {  	[sflag:s30] =	ssyncadd.s32 $0xFFFFFC00  }
0x38: {  	_ =	swait.ge [sflag:s30], $0x400  }
0x39: {  	[sflag:s30] =	ssyncset.done $0x0  }
0x3a: {  	[sflag:s30] =	ssyncadd.s32 $0xFFFFFC00  }
0x3b: {  	_ =	swait.ge [sflag:s30], $0x400  }
0x3c: {  	[sflag:s30] =	ssyncset.done $0x0  }
0x3d: {  	s12 =	simm.s32 $0x420;
	[sflag:s30] =	ssyncadd.s32 $0xFFFFFC00  }
0x3e: {  	s9 =	simm.s32 $0x20;
	v1 =	vld [tilespmem:s12+$0x10]  }
0x3f: {  	s31 =	simm.s32 $0x820;
	v2 =	vld [tilespmem:s9+$0x0]  }
0x40: {  	v17 =	vld [tilespmem:s31+$0xFFFFFFE0]  }
0x41: {  	v8 =	vld [tilespmem:s31+$0x0]  }
0x42: {  	v4 =	vld [tilespmem:s9+$0x10]  }
0x43: {  	v3 =	vld [tilespmem:s12+$0x0]  }
0x44: {  	v11 =	vld [tilespmem:s31+$0xFFFFFFF0]  }
0x45: {  	v5 =	vld [tilespmem:s12+$0xFFFFFFE0]  }
0x46: {  	v6 =	vld [tilespmem:s9+$0xFFFFFFE0]  }
0x47: {  	s10 =	simm.s32 $0x1800;
	v12 =	vld [tilespmem:s31+$0x10]  }
0x48: {  	s11 =	simm.s32 $0x1880;
	v13 =	vld.idx.msk [tilespmem:v17+s10+$0x0], $0xffff  }
0x49: {  	v16 =	vld.idx.msk [tilespmem:v8+s11+$0x0], $0xffff  }
0x4a: {  	v21 =	vld.idx.msk [tilespmem:v8+s10+$0x0], $0xffff  }
0x4b: {  	v9 =	vld [tilespmem:s9+$0xFFFFFFF0]  }
0x4c: {  	v14 =	vld [tilespmem:s12+$0xFFFFFFF0]  }
0x4d: {  	s13 =	simm.s32 $0xC20;
	v7 =	vimm.f32 $1.000000000e+00;
	s14 =	simm.s32 $0x0;
	v10 =	vshll.u32 v17, $0x4;
	v18 =	vld.idx.msk [tilespmem:v11+s10+$0x0], $0xffff;
	v15 =	vsub.f32 v6, v13  }
0x4e: {  	s15 =	simm.s32 $0x460;
	s16 =	simm.s32 $0x860;
	s7 =	simm.s32 $0x1B00;
	v19 =	vld.idx.msk [tilespmem:v11+s11+$0x0], $0xffff;
	v8 =	vshll.u32 v8, $0x4;
	v13 =	vshll.u32 v11, $0x4;
	v11 =	vshll.u32 v12, $0x4  }
0x4f: {  	s6 =	simm.s32 $0x1900;
	s8 =	simm.s32 $0x1A00;
	s12 =	simm.s32 $0xC20;
	v20 =	vld.idx.msk [tilespmem:v17+s11+$0x0], $0xffff;
	v16 =	vsub.f32 v3, v16;
	v17 =	vsub.f32 v2, v21;
	v15 =	vmul.f32 v15, v15  }
.LBB2_1:
0x50: {  	v21 =	vld [tilespmem:s15+$0x10];
	s14 =	sadd.s32 $0x40, s14;
	s13 =	sadd.s32 $0x40, s13;
	s9 =	sadd.s32 $0x40, s9  }
0x51: {  	v22 =	vld [tilespmem:s9+$0x0];
	p0 =	slt.u32 s14, $0x3C0  }
0x52: {  	v18 =	vsub.f32 v9, v18;
	v23 =	vld [tilespmem:s9+$0x10]  }
0x53: {  	v24 =	vld [tilespmem:s15+$0x0];
	v19 =	vsub.f32 v14, v19  }
0x54: {  	v25 =	vld [tilespmem:s16+$0xFFFFFFE0]  }
0x55: {  	v18 =	vmul.f32 v18, v18;
	v20 =	vsub.f32 v5, v20;
	v19 =	vmul.f32 v19, v19;
	v26 =	vld.idx.msk [tilespmem:v12+s11+$0x0], $0xffff  }
0x56: {  	v27 =	vld.idx.msk [tilespmem:v12+s10+$0x0], $0xffff  }
0x57: {  	v12 =	vmul.f32 v20, v20;
	v28 =	vld [tilespmem:s16+$0xFFFFFFF0];
	v18 =	vadd.f32 v19, v18;
	v19 =	vor.u32 v0, v13  }
0x58: {  	v16 =	vmul.f32 v16, v16;
	v13 =	vmul.f32 v17, v17;
	v20 =	vld [tilespmem:s15+$0xFFFFFFE0]  }
0x59: {  	v15 =	vadd.f32 v12, v15;
	v17 =	vshll.u32 v25, $0x4;
	v29 =	vld [tilespmem:s16+$0x0];
	[tilespmem:s12+$0xFFFFFFF0] =	vst v18  }
0x5a: {  	v30 =	vor.u32 v0, v10;
	v16 =	vadd.f32 v16, v13;
	v18 =	vld [tilespmem:s9+$0xFFFFFFE0];
	v10 =	vmov v17  }
0x5b: {  	v12 =	vld [tilespmem:s16+$0x10];
	[tilespmem:s12+$0xFFFFFFE0] =	vst v15;
	v15 =	vsub.f32 v1, v26  }
0x5c: {  	v17 =	vsub.f32 v4, v27;
	v13 =	vshll.u32 v28, $0x4;
	[tilespmem:v19+s6+$0x0] =	vst.idx.add.f32.msk $0xffff, v7  }
0x5d: {  	v26 =	vld [tilespmem:s9+$0xFFFFFFF0];
	[tilespmem:s12+$0x0] =	vst v16;
	v16 =	vor.u32 v0, v11  }
0x5e: {  	v15 =	vmul.f32 v15, v15;
	v27 =	vshll.u32 v29, $0x4;
	[tilespmem:v19+s8+$0x0] =	vst.idx.add.f32.msk $0xffff, v9;
	v9 =	vmul.f32 v17, v17  }
0x5f: {  	[tilespmem:v30+s6+$0x0] =	vst.idx.add.f32.msk $0xffff, v7  }
0x60: {  	v17 =	vld.idx.msk [tilespmem:v25+s10+$0x0], $0xffff;
	v11 =	vshll.u32 v12, $0x4;
	v15 =	vadd.f32 v15, v9  }
0x61: {  	[tilespmem:v19+s7+$0x0] =	vst.idx.add.f32.msk $0xffff, v14  }
0x62: {  	v14 =	vor.u32 v0, v8;
	v8 =	vmov v27;
	v31 =	vld.idx.msk [tilespmem:v29+s11+$0x0], $0xffff;
	[tilespmem:s12+$0x10] =	vst v15;
	v9 =	vmov v26;
	s12 =	smov.u32 s13  }
0x63: {  	[tilespmem:v16+s6+$0x0] =	vst.idx.add.f32.msk $0xffff, v7  }
0x64: {  	[tilespmem:v16+s8+$0x0] =	vst.idx.add.f32.msk $0xffff, v4;
	v4 =	vmov v23  }
0x65: {  	[tilespmem:v30+s8+$0x0] =	vst.idx.add.f32.msk $0xffff, v6;
	v6 =	vmov v18  }
0x66: {  	v15 =	vsub.f32 v6, v17;
	[tilespmem:v30+s7+$0x0] =	vst.idx.add.f32.msk $0xffff, v5;
	v5 =	vmov v20  }
0x67: {  	[tilespmem:v14+s6+$0x0] =	vst.idx.add.f32.msk $0xffff, v7  }
0x68: {  	[tilespmem:v14+s8+$0x0] =	vst.idx.add.f32.msk $0xffff, v2;
	v2 =	vmov v22  }
0x69: {  	v17 =	vld.idx.msk [tilespmem:v29+s10+$0x0], $0xffff  }
0x6a: {  	[tilespmem:v16+s7+$0x0] =	vst.idx.add.f32.msk $0xffff, v1;
	v1 =	vmov v21  }
.Ltmp0:
0x6b: {  	[tilespmem:v14+s7+$0x0] =	vst.idx.add.f32.msk $0xffff, v3;
	v3 =	vmov v24;
	(pc) =	sbr.rel @p0 .LBB2_1-.Ltmp0, $4  }
0x6c: {  	v15 =	vmul.f32 v15, v15;
	v18 =	vld.idx.msk [tilespmem:v28+s10+$0x0], $0xffff  }
0x6d: {  	v19 =	vld.idx.msk [tilespmem:v28+s11+$0x0], $0xffff  }
0x6e: {  	v16 =	vsub.f32 v3, v31;
	v14 =	vld [tilespmem:s15+$0xFFFFFFF0]  }
0x6f: {  	s16 =	sadd.s32 $0x40, s16;
	v17 =	vsub.f32 v2, v17;
	s15 =	sadd.s32 $0x40, s15;
	v20 =	vld.idx.msk [tilespmem:v25+s11+$0x0], $0xffff  }
0x70: {  	v13 =	vor.u32 v0, v13;
	v16 =	vmul.f32 v16, v16;
	v10 =	vor.u32 v0, v10  }
0x71: {  	v11 =	vor.u32 v0, v11;
	v0 =	vor.u32 v0, v8;
	v17 =	vmul.f32 v17, v17  }
0x72: {  	v18 =	vsub.f32 v9, v18  }
0x73: {  	v19 =	vsub.f32 v14, v19;
	v16 =	vadd.f32 v16, v17  }
0x74: {  	v21 =	vld.idx.msk [tilespmem:v12+s11+$0x0], $0xffff;
	v20 =	vsub.f32 v5, v20  }
0x75: {  	v61 =	vld.idx.msk [tilespmem:v12+s10+$0x0], $0xffff;
	v18 =	vmul.f32 v18, v18;
	v19 =	vmul.f32 v19, v19;
	[tilespmem:s12+$0x0] =	vst v16  }
0x76: {  	v20 =	vmul.f32 v20, v20;
	[tilespmem:v0+s6+$0x0] =	vst.idx.add.f32.msk $0xffff, v7  }
0x77: {  	v18 =	vadd.f32 v19, v18;
	[tilespmem:v0+s8+$0x0] =	vst.idx.add.f32.msk $0xffff, v2  }
0x78: {  	v15 =	vadd.f32 v20, v15;
	[tilespmem:v0+s7+$0x0] =	vst.idx.add.f32.msk $0xffff, v3  }
0x79: {  	[tilespmem:s12+$0xFFFFFFF0] =	vst v18  }
0x7a: {  	[tilespmem:s12+$0xFFFFFFE0] =	vst v15  }
0x7b: {  	v62 =	vsub.f32 v1, v21;
	v12 =	vsub.f32 v4, v61;
	[tilespmem:v13+s6+$0x0] =	vst.idx.add.f32.msk $0xffff, v7  }
0x7c: {  	[tilespmem:v13+s8+$0x0] =	vst.idx.add.f32.msk $0xffff, v9  }
0x7d: {  	v12 =	vmul.f32 v12, v12;
	v15 =	vmul.f32 v62, v62;
	[tilespmem:v10+s6+$0x0] =	vst.idx.add.f32.msk $0xffff, v7  }
0x7e: {  	[tilespmem:v13+s7+$0x0] =	vst.idx.add.f32.msk $0xffff, v14  }
0x7f: {  	v63 =	vadd.f32 v15, v12;
	[tilespmem:v10+s8+$0x0] =	vst.idx.add.f32.msk $0xffff, v6  }
0x80: {  	[tilespmem:v10+s7+$0x0] =	vst.idx.add.f32.msk $0xffff, v5  }
0x81: {  	[tilespmem:s12+$0x10] =	vst v63  }
0x82: {  	[tilespmem:v11+s6+$0x0] =	vst.idx.add.f32.msk $0xffff, v7  }
0x83: {  	s5 =	sadd.s32 s4, s5;
	[tilespmem:v11+s8+$0x0] =	vst.idx.add.f32.msk $0xffff, v4  }
0x84: {  	s4 =	simm.s32 $0x0;
	s28 =	simm.s32 $0xC00;
	s29 =	simm.s32 $0x1900;
	[tilespmem:v11+s7+$0x0] =	vst.idx.add.f32.msk $0xffff, v1  }
0x85: {  	[hbm4b:s5+s4] =	stream.linear.scatter [tilespmem:s28], [sflag:$0x1], $0x400, $0x38;
	[tilespmem:$0x2030] =	vst v63  }
0x86: {  	v0 =	vld [tilespmem:s29+$0x0];
	_ =	sdelay $0x3  }
0x87: {  	s30 =	simm.s32 $0x1A00  }
0x88: {  	(xrf2) =	vadd.scan.msk.f32 $0xffff, v0;
	v0 =	vld [tilespmem:s30+$0x0];
	_ =	sdelay $0x1  }
0x89: {  	s31 =	simm.s32 $0x1B00  }
0x8a: {  	v1 =	vld [tilespmem:s31+$0x0];
	_ =	sdelay $0x1  }
0x8b: {  	s5 =	simm.s32 $0x1910;
	(xrf2) =	vadd.scan.msk.f32 $0xffff, v0  }
0x8c: {  	v2 =	vld [tilespmem:s5+$0x0];
	_ =	sdelay $0x1  }
0x8d: {  	s7 =	simm.s32 $0x1A10;
	(xrf2) =	vadd.scan.msk.f32 $0xffff, v1  }
0x8e: {  	v4 =	vld [tilespmem:s7+$0x0];
	_ =	sdelay $0x1  }
0x8f: {  	v3 =	vlaneseq.u32;
	s8 =	simm.s32 $0x1B10;
	(xrf2) =	vadd.scan.msk.f32 $0xffff, v2  }
0x90: {  	s9 =	simm.s32 $0x2;
	s6 =	simm.s32 $0x1;
	v6 =	vld [tilespmem:s8+$0x0];
	v0 =	vimm.f32 $0.0e+00;
	v1 =	vimm.f32 $0.0e+00;
	v2 =	vimm.f32 $0.0e+00;
	v5, _, _ =	vpop (xrf2)  }
.LBB2_3:
0x91: {  	p0 =	sne.s32 s9, $0x9  }
0x92: {  	s5 =	sadd.s32 $0x10, s5;
	(xrf2) =	vadd.scan.msk.f32 $0xffff, v4  }
0x93: {  	v7 =	vld [tilespmem:s5+$0x0];
	v8, _, _ =	vpop (xrf2);
	_ =	sdelay $0x1  }
.Ltmp1:
0x94: {  	s7 =	sadd.s32 $0x10, s7;
	(xrf2) =	vadd.scan.msk.f32 $0xffff, v6;
	(pc) =	sbr.rel @p0 .LBB2_3-.Ltmp1, $4  }
0x95: {  	v9 =	vbroadcast v5, $0xF;
	v4 =	vld [tilespmem:s7+$0x0];
	v5, _, _ =	vpop (xrf2)  }
0x96: {  	v8 =	vbroadcast v8, $0xF;
	v6 =	vmov s4;
	s4 =	smov.u32 s6;
	s6 =	smov.u32 s9;
	v10 =	vbroadcast v5, $0xF  }
0x97: {  	s8 =	sadd.s32 $0x10, s8;
	vm0 =	veq.s32 v6, v3;
	(xrf2) =	vadd.scan.msk.f32 $0xffff, v7  }
0x98: {  	s9 =	sadd.s32 $0x1, s9;
	v0 =	vsel vm0, v9, v0;
	v2 =	vsel vm0, v8, v2;
	v6 =	vld [tilespmem:s8+$0x0];
	v5, _, _ =	vpop (xrf2);
	v1 =	vsel vm0, v10, v1  }
0x99: {  	_ =	sdelay $0x2  }
0x9a: {  	(xrf2) =	vadd.scan.msk.f32 $0xffff, v4  }
0x9b: {  	(xrf2) =	vadd.scan.msk.f32 $0xffff, v6;
	_ =	sdelay $0x5  }
0x9c: {  	v56, _, _ =	vpop (xrf2)  }
0x9d: {  	v7 =	vmov s4;
	v57, _, _ =	vpop (xrf2)  }
0x9e: {  	v5 =	vbroadcast v5, $0xF;
	v8 =	vmov s6;
	vm0 =	veq.s32 v7, v3;
	v58, _, _ =	vpop (xrf2)  }
0x9f: {  	vm1 =	veq.s32 v8, v3;
	v59 =	vbroadcast v56, $0xF;
	v7 =	vbroadcast v58, $0xF;
	v60, _, _ =	vpop (xrf2)  }
0xa0: {  	v0 =	vsel vm0, v5, v0;
	v6 =	vbroadcast v57, $0xF;
	v4 =	vbroadcast v60, $0xF;
	v61, _, _ =	vpop (xrf2)  }
0xa1: {  	s30 =	smul.u32 $0xC0, s3;
	v2 =	vsel vm0, v59, v2;
	v0 =	vsel vm1, v7, v0;
	v62 =	vbroadcast v61, $0xF  }
0xa2: {  	v1 =	vsel vm0, v6, v1;
	[tilespmem:$0x1C00] =	vst v0;
	v2 =	vsel vm1, v4, v2  }
0xa3: {  	s4 =	sshrl.u32 s30, $0x2;
	[tilespmem:$0x1C10] =	vst v2;
	v63 =	vsel vm1, v62, v1  }
0xa4: {  	s5 =	simm.s32 $0x1C00;
	s4 =	sadd.s32 s4, s2;
	[tilespmem:$0x1C20] =	vst v63  }
0xa5: {  	[spmem:s4] =	stream.linear.scatter [tilespmem:s5], [sflag:$0x2], $0x30, $0x38;
	[tilespmem:$0x2030] =	vst v63  }
0xa6: {  	s4 =	simm.s32 $0x2  }
0xa7: {  	_ =	swait.ge [sflag:s4], $0x30  }
0xa8: {  	[sflag:s4] =	ssyncset.done $0x0  }
0xa9: {  	s31 =	simm.s32 $0x1;
	[sflag:s4] =	ssyncadd.s32 $0xFFFFFFD0  }
0xaa: {  	_ =	swait.ge [sflag:s31], $0x400  }
0xab: {  	[sflag:s31] =	ssyncset.done $0x0  }
0xac: {  	[sflag:s31] =	ssyncadd.s32 $0xFFFFFC00  }
0xad: {  	p0 =	sne.s32 s3, $0x0;
	[bflag:$0x0] =	sbarrier.arrive $0xFFFF  }
0xae: {  	_ =	sfence.sel @p0 $0x180000  }
0xaf: {  	[bflag:$0x0] =	sbarrier.arrive @p0 $0xFFFF  }
0xb0: {  	_ =	strace @p0 $0x90000047  }
0xb1: {  	[bflag:$0x2] =	sbarrier.arrive @p0 $0xFFFF  }
0xb2: {  	_ =	shalt @p0  }
.LBB2_5:
0xb3: {  	s3 =	simm.s32 $0x1C80  }
0xb4: {  	[tilespmem:s3], [sflag:$0x2] =	stream.linear.gather [spmem:s2], $0x300, $0x38;
	[tilespmem:$0x2030] =	vst v63  }
0xb5: {  	_ =	swait.ge [sflag:s4], $0x300  }
0xb6: {  	[sflag:s4] =	ssyncset.done $0x0  }
0xb7: {  	[sflag:s4] =	ssyncadd.s32 $0xFFFFFD00  }
0xb8: {  	v0 =	vld [tilespmem:$0x1C80]  }
0xb9: {  	v1 =	vld [tilespmem:$0x1C90]  }
0xba: {  	v2 =	vld [tilespmem:$0x1CA0]  }
0xbb: {  	v3 =	vld [tilespmem:$0x1CB0]  }
0xbc: {  	v4 =	vld [tilespmem:$0x1CC0]  }
0xbd: {  	v5 =	vld [tilespmem:$0x1CD0]  }
0xbe: {  	v6 =	vld [tilespmem:$0x1CE0]  }
0xbf: {  	v7 =	vld [tilespmem:$0x1CF0]  }
0xc0: {  	v8 =	vld [tilespmem:$0x1D00]  }
0xc1: {  	v9 =	vld [tilespmem:$0x1D10]  }
0xc2: {  	v10 =	vld [tilespmem:$0x1D20]  }
0xc3: {  	v11 =	vld [tilespmem:$0x1D30];
	v0 =	vadd.f32 $0.0e+00, v0  }
0xc4: {  	v12 =	vld [tilespmem:$0x1D40]  }
0xc5: {  	v26 =	vld [tilespmem:$0x1D50];
	v0 =	vadd.f32 v3, v0  }
0xc6: {  	v13 =	vld [tilespmem:$0x1D60]  }
0xc7: {  	v27 =	vld [tilespmem:$0x1D70];
	v0 =	vadd.f32 v6, v0  }
0xc8: {  	v14 =	vld [tilespmem:$0x1D80]  }
0xc9: {  	v28 =	vld [tilespmem:$0x1D90];
	v0 =	vadd.f32 v9, v0  }
0xca: {  	v15 =	vld [tilespmem:$0x1DA0]  }
0xcb: {  	v29 =	vld [tilespmem:$0x1DB0];
	v0 =	vadd.f32 v12, v0  }
0xcc: {  	v16 =	vld [tilespmem:$0x1DD0]  }
0xcd: {  	v30 =	vld [tilespmem:$0x1DC0];
	v0 =	vadd.f32 v27, v0  }
0xce: {  	v17 =	vld [tilespmem:$0x1E00]  }
0xcf: {  	v31 =	vld [tilespmem:$0x1DE0];
	v1 =	vadd.f32 $0.0e+00, v1;
	v0 =	vadd.f32 v15, v0  }
0xd0: {  	v18 =	vld [tilespmem:$0x1E30];
	v2 =	vadd.f32 $0.0e+00, v2  }
0xd1: {  	v32 =	vld [tilespmem:$0x1DF0];
	v1 =	vadd.f32 v4, v1;
	v0 =	vadd.f32 v16, v0  }
0xd2: {  	v33 =	vld [tilespmem:$0x1E60];
	v2 =	vadd.f32 v5, v2  }
0xd3: {  	v34 =	vld [tilespmem:$0x1E10];
	v1 =	vadd.f32 v7, v1;
	v0 =	vadd.f32 v17, v0  }
0xd4: {  	v35 =	vld [tilespmem:$0x1E90];
	v2 =	vadd.f32 v8, v2  }
0xd5: {  	v36 =	vld [tilespmem:$0x1E20];
	v1 =	vadd.f32 v10, v1;
	v0 =	vadd.f32 v18, v0  }
0xd6: {  	v37 =	vld [tilespmem:$0x1EC0];
	v2 =	vadd.f32 v11, v2  }
0xd7: {  	v38 =	vld [tilespmem:$0x1E40];
	v1 =	vadd.f32 v26, v1;
	v0 =	vadd.f32 v33, v0  }
0xd8: {  	v39 =	vld [tilespmem:$0x1EF0];
	v2 =	vadd.f32 v13, v2  }
0xd9: {  	v40 =	vld [tilespmem:$0x1E50];
	v1 =	vadd.f32 v14, v1;
	v0 =	vadd.f32 v35, v0  }
0xda: {  	v41 =	vld [tilespmem:$0x1F20];
	v2 =	vadd.f32 v28, v2  }
0xdb: {  	v42 =	vld [tilespmem:$0x1E70];
	v1 =	vadd.f32 v29, v1;
	v0 =	vadd.f32 v37, v0  }
0xdc: {  	v43 =	vld [tilespmem:$0x1F50];
	v2 =	vadd.f32 v30, v2  }
0xdd: {  	v44 =	vld [tilespmem:$0x1E80];
	v1 =	vadd.f32 v31, v1;
	v0 =	vadd.f32 v39, v0  }
0xde: {  	v45 =	vld [tilespmem:$0x1EA0];
	v2 =	vadd.f32 v32, v2  }
0xdf: {  	v46 =	vld [tilespmem:$0x1EB0];
	v1 =	vadd.f32 v34, v1;
	v0 =	vadd.f32 v41, v0  }
0xe0: {  	v47 =	vld [tilespmem:$0x1ED0];
	v2 =	vadd.f32 v36, v2  }
0xe1: {  	v48 =	vld [tilespmem:$0x1EE0];
	v1 =	vadd.f32 v38, v1;
	v0 =	vadd.f32 v43, v0  }
0xe2: {  	v49 =	vld [tilespmem:$0x1F00];
	v2 =	vadd.f32 v40, v2  }
0xe3: {  	v50 =	vld [tilespmem:$0x1F10];
	v1 =	vadd.f32 v42, v1;
	v51 =	vadd.f32 $1.000000000e+00, v0  }
0xe4: {  	v52 =	vld [tilespmem:$0x1F30];
	v2 =	vadd.f32 v44, v2  }
0xe5: {  	v53 =	vld [tilespmem:$0x1F40];
	v1 =	vadd.f32 v45, v1;
	(erf) = vrcp.f32 v51  }
0xe6: {  	v54 =	vld [tilespmem:$0x1F60];
	v2 =	vadd.f32 v46, v2  }
0xe7: {  	v55 =	vld [tilespmem:$0x1F70];
	v1 =	vadd.f32 v47, v1  }
0xe8: {  	v56 =	vld [tilespmem:$0x1800];
	v2 =	vadd.f32 v48, v2  }
0xe9: {  	v57 =	vld [tilespmem:$0x1880];
	v1 =	vadd.f32 v49, v1  }
0xea: {  	v2 =	vadd.f32 v50, v2  }
0xeb: {  	v1 =	vadd.f32 v52, v1  }
0xec: {  	v2 =	vadd.f32 v53, v2  }
0xed: {  	v1 =	vadd.f32 v54, v1;
	v58 =	vmul.f32 v56, v0  }
0xee: {  	v60 =	vlaneseq.u32;
	v2 =	vadd.f32 v55, v2;
	v0 =	vmul.f32 v57, v0;
	v59 =	vpop (erf)  }
0xef: {  	v62 =	vmul.u32 $0x2, v60;
	v1 =	vsub.f32 v58, v1;
	v61 =	vmul.f32 $5.000000000e-01, v59  }
0xf0: {  	v0 =	vsub.f32 v0, v2  }
0xf1: {  	v63 =	vor.u32 $0x1, v62;
	v1 =	vmul.f32 v1, v61  }
0xf2: {  	v0 =	vmul.f32 v0, v61  }
0xf3: {  	v1 =	vsub.f32 v56, v1  }
0xf4: {  	s30 =	simm.s32 $0x1F80;
	v0 =	vsub.f32 v57, v0  }
0xf5: {  	[tilespmem:v62+s30+$0x0] =	vst.idx.msk $0x3ff, v1  }
0xf6: {  	s31 =	simm.s32 $0x0;
	[tilespmem:v63+s30+$0x0] =	vst.idx.msk $0x3ff, v0  }
0xf7: {  	[hbm4b:s1+s31] =	stream.linear.scatter [tilespmem:s30], [sflag:$0x2], $0x80, $0x38;
	[tilespmem:$0x2030] =	vst v63  }
0xf8: {  	_ =	swait.ge [sflag:s4], $0x80  }
0xf9: {  	[sflag:s4] =	ssyncset.done $0x0  }
0xfa: {  	[sflag:s4] =	ssyncadd.s32 $0xFFFFFF80  }
0xfb: {  	_ =	sfence.sel $0x180000  }
0xfc: {  	[bflag:$0x0] =	sbarrier.arrive $0xFFFF  }
0xfd: {  	_ =	strace $0x90000047  }
0xfe: {  	s0 =	sadd.s32 $0x100000, s0;
	[bflag:$0x2] =	sbarrier.arrive $0xFFFF  }
0xff: {  	[sflag:s0] =	ssyncadd.tile.s32 $0x1;
	_ =	shalt  }
.Lfunc_end2:
_tile_overlayer_lowered:
.L_overlay_start_2:
0x100: {  	(tag) =	ssettag $0x2  }
0x101: {  	s0 =	rddreg [dreg:$0x0];
	s2 =	stileid.u32  }
0x102: {  	s1 =	rddreg [dreg:$0x1];
	p0 =	sne.s32 s2, $0x0  }
0x103: {  	s3 =	rddreg [dreg:$0x2];
	[bflag:$0x3] =	sbarrier.arrive $0xFFFF;
	s2 =	simm.s32 @!p0 $0x1C02  }
0x104: {  	[timem:s3], [sflag:s2] =	dma.local @!p0 [hbm:s0], s1  }
0x105: {  	s0 =	simm.s32 @!p0 $0x2  }
0x106: {  	_ =	swait.ge @!p0 [sflag:s0], s1  }
0x107: {  	s1 =	ssub.s32 @!p0 $0x0, s1;
	[sflag:s0] =	ssyncset.done @!p0 $0x0  }
0x108: {  	[sflag:s0] =	ssyncadd.s32 @!p0 s1  }
0x109: {  	[bflag:$0x3] =	sbarrier.arrive $0xFFFF  }
0x10a: {  	_ =	shalt  }

</sc_bundles>
